<compile_context>
chip_gen: v7x
topology: tpu7x:2x2x1
jax: 0.10.2.dev20260603
libtpu: 0.0.44.dev20260713+nightly
codegen_flags: <defaults>
</compile_context>

<pallas_src>
import functools

import jax
import jax.numpy as jnp
from jax import lax
from jax.experimental import pallas as pl
from jax.experimental.pallas import tpu as pltpu
from jax.experimental.pallas import tpu_sc as plsc

_N_CELLS = 200
_N_REGIONS = 500
_NSEG = _N_CELLS * _N_REGIONS
_F = 6400000
_NW = 32
_SEG_W = 3136
_NSEG_PAD = _NW * _SEG_W
_CF = 4000
_NCHUNK = _F // _CF
_VPC = _CF // 16
_NSAMP = _NCHUNK
_SVREG = _NSAMP // 16
_GB = 128
_NGB = (_NSAMP + _GB - 1) // _GB

_mesh = plsc.VectorSubcoreMesh(core_axis_name="c", subcore_axis_name="s")


@functools.partial(
    pl.kernel,
    mesh=_mesh,
    out_type=jax.ShapeDtypeStruct((_NSEG_PAD,), jnp.float32),
    scratch_types=[
        pltpu.VMEM((_SEG_W,), jnp.float32),
        pltpu.VMEM((_CF,), jnp.float32),
        pltpu.VMEM((_CF,), jnp.float32),
        pltpu.VMEM((_CF + 16,), jnp.int32),
        pltpu.VMEM((_CF + 16,), jnp.int32),
        pltpu.VMEM((_NGB * _GB,), jnp.int32),
        pltpu.VMEM((_NGB * _GB,), jnp.int32),
        pltpu.SemaphoreType.DMA,
        pltpu.SemaphoreType.DMA,
        pltpu.SemaphoreType.DMA,
        pltpu.SemaphoreType.DMA,
        pltpu.SemaphoreType.DMA,
    ],
    compiler_params=pltpu.CompilerParams(needs_layout_passes=False),
)
def _sc_segment_sum(vals_hbm, idx_hbm, cnt_hbm, out_hbm, acc_v,
                    vals0, vals1, idx0, idx1, spos, samp,
                    sv0, sv1, si0, si1, sg):
    c = lax.axis_index("c")
    s = lax.axis_index("s")
    wid = s * 2 + c
    b_lo = wid * _SEG_W
    b_hi = b_lo + _SEG_W
    svs = (sv0, sv1)
    sis = (si0, si1)
    vbufs = (vals0, vals1)
    ibufs = (idx0, idx1)

    lane = lax.iota(jnp.int32, 16)
    is_last_lane = lane == 15

    pltpu.sync_copy(cnt_hbm.at[pl.ds(b_lo, _SEG_W)], acc_v)

    def _fill_pos(i, carry):
        k = i * 16 + lane
        pos = jnp.where(k < _NSAMP, k * _CF, 0)
        spos[pl.ds(i * 16, 16)] = pos
        return carry

    lax.fori_loop(0, _NGB * _GB // 16, _fill_pos, 0, unroll=8)

    def _gather_copies():
        return [
            pltpu.make_async_copy(
                idx_hbm.at[spos.at[pl.ds(j * _GB, _GB)]],
                samp.at[pl.ds(j * _GB, _GB)],
                sg,
            )
            for j in range(_NGB)
        ]

    for cp in _gather_copies():
        cp.start()
    for cp in _gather_copies():
        cp.wait()

    def _count(i, carry):
        cl, ch = carry
        sv = samp[pl.ds(i * 16, 16)]
        one = jnp.ones((16,), jnp.int32)
        zero = jnp.zeros((16,), jnp.int32)
        cl = cl + jnp.where(sv < b_lo, one, zero)
        ch = ch + jnp.where(sv < b_hi, one, zero)
        return cl, ch

    zeros_i = jnp.zeros((16,), jnp.int32)
    cl, ch = lax.fori_loop(0, _SVREG, _count, (zeros_i, zeros_i), unroll=8)
    k_lo = jnp.sum(cl)
    k_hi = jnp.sum(ch)
    j_lo = jnp.maximum(k_lo - 1, 0)
    j_hi = k_hi

    def _copies(g, b):
        off = g * _CF
        cv = pltpu.make_async_copy(
            vals_hbm.at[pl.ds(off, _CF)], vbufs[b], svs[b])
        ci = pltpu.make_async_copy(
            idx_hbm.at[pl.ds(off, _CF)], ibufs[b].at[pl.ds(0, _CF)], sis[b])
        return cv, ci

    def _start(g, b):
        cv, ci = _copies(g, b)
        cv.start()
        ci.start()

    def _wait(g, b):
        cv, ci = _copies(g, b)
        cv.wait()
        ci.wait()

    def _compute(g, b):
        _wait(g, b)

        @plsc.parallel_loop(0, _VPC, unroll=4)
        def _vreg(i):
            ix = ibufs[b][pl.ds(i * 16, 16)]
            nx = ibufs[b][pl.ds(i * 16 + 1, 16)]
            x = vbufs[b][pl.ds(i * 16, 16)]
            csum = plsc.cumsum(x)
            boundary = ix != nx
            lix = ix - b_lo
            lnx = nx - b_lo
            inr = plsc.bitcast(lix, jnp.uint32) < jnp.uint32(_SEG_W)
            nxr = plsc.bitcast(lnx, jnp.uint32) < jnp.uint32(_SEG_W)
            m_end = (boundary | is_last_lane) & inr
            m_carry = boundary & (~is_last_lane) & nxr
            plsc.addupdate_scatter(acc_v, [lix], csum, mask=m_end)
            plsc.addupdate_scatter(acc_v, [lnx], -csum, mask=m_carry)

    izeros = jnp.zeros((16,), jnp.int32)
    idx0[pl.ds(_CF, 16)] = izeros
    idx1[pl.ds(_CF, 16)] = izeros

    @pl.when(j_lo < j_hi)
    def _():
        _start(j_lo, 0)

    def _outer(gg, carry):
        g0 = j_lo + gg * 2

        @pl.when(g0 + 1 < j_hi)
        def _():
            _start(g0 + 1, 1)

        _compute(g0, 0)

        @pl.when(g0 + 2 < j_hi)
        def _():
            _start(g0 + 2, 0)

        @pl.when(g0 + 1 < j_hi)
        def _():
            _compute(g0 + 1, 1)

        return carry

    lax.fori_loop(0, (j_hi - j_lo + 1) // 2, _outer, 0)

    pltpu.sync_copy(acc_v, out_hbm.at[pl.ds(b_lo, _SEG_W)])


def kernel(likelihood_position, likelihood_count, local_cellxregion_ix):
    cnt = jnp.pad(likelihood_count, (0, _NSEG_PAD - _NSEG))
    out = _sc_segment_sum(likelihood_position, local_cellxregion_ix, cnt)
    return out[:_NSEG].reshape(_N_CELLS, _N_REGIONS)

# --- scband reference (transcript-rebuilt; emitter-appended) ---
"""Pipeline reference for scband-model-59760174956782 (READ-ONLY COPY).

The authoritative reference and input builder live on the scoring server;
editing this copy changes nothing except your own understanding.
"""

import jax, jax.numpy as jnp
import numpy as np

N_CELLS = 200
N_REGIONS = 500
N_FRAGMENTS = 6400000


def setup_inputs(seed: int = 0) -> dict:
    key = jax.random.key(seed)
    k1, k2, k3 = jax.random.split(key, 3)
    likelihood_position = jax.random.normal(k1, (N_FRAGMENTS,), dtype=jnp.float32)
    likelihood_count = jax.random.normal(k2, (N_CELLS * N_REGIONS,), dtype=jnp.float32)
    local_cellxregion_ix = jnp.sort(
        jax.random.randint(k3, (N_FRAGMENTS,), 0, N_CELLS * N_REGIONS)
    )
    return {
        "likelihood_position": likelihood_position,
        "likelihood_count": likelihood_count,
        "local_cellxregion_ix": local_cellxregion_ix,
    }


def reference(likelihood_position, likelihood_count, local_cellxregion_ix):
    # _get_likelihood_cell_region: torch_scatter.segment_sum_coo(likelihood,
    #   local_cellxregion_ix, dim_size=n_cells*n_regions).reshape((n_cells, n_regions))
    per_cellxregion = jax.ops.segment_sum(
        likelihood_position,
        local_cellxregion_ix,
        num_segments=N_CELLS * N_REGIONS,
        indices_are_sorted=True,
    )
    likelihood_position_cr = per_cellxregion.reshape((N_CELLS, N_REGIONS))
    # get_prediction accumulates position likelihood (segment-summed) plus the
    # per-cellxregion count likelihood into the (cells, regions) matrix.
    out = likelihood_position_cr + likelihood_count.reshape((N_CELLS, N_REGIONS))
    return out

if __name__ == "__main__":
    import jax
    _d = setup_inputs()
    print(jax.jit(kernel)(*tuple(_d.values())))

</pallas_src>

<mosaic_0001>
#map = affine_map<(d0, d1) -> (0)>
module attributes {stable_mosaic.version = 14 : i64} {
  func.func @_sc_segment_sum(%arg0: i32, %arg1: i32, %arg2: memref<6400000xf32, #tpu.memory_space<hbm>>, %arg3: memref<6400000xi32, #tpu.memory_space<hbm>>, %arg4: memref<100352xf32, #tpu.memory_space<hbm>>, %arg5: memref<100352xf32, #tpu.memory_space<hbm>>, %arg6: memref<3136xf32, #tpu.memory_space<vmem>>, %arg7: memref<4000xf32, #tpu.memory_space<vmem>>, %arg8: memref<4000xf32, #tpu.memory_space<vmem>>, %arg9: memref<4016xi32, #tpu.memory_space<vmem>>, %arg10: memref<4016xi32, #tpu.memory_space<vmem>>, %arg11: memref<1664xi32, #tpu.memory_space<vmem>>, %arg12: memref<1664xi32, #tpu.memory_space<vmem>>, %arg13: memref<!tpu.dma_semaphore, #tpu.memory_space<semaphore_mem>>, %arg14: memref<!tpu.dma_semaphore, #tpu.memory_space<semaphore_mem>>, %arg15: memref<!tpu.dma_semaphore, #tpu.memory_space<semaphore_mem>>, %arg16: memref<!tpu.dma_semaphore, #tpu.memory_space<semaphore_mem>>, %arg17: memref<!tpu.dma_semaphore, #tpu.memory_space<semaphore_mem>>) attributes {dimension_semantics = [#tpu.dimension_semantics<core_parallel>, #tpu.dimension_semantics<subcore_parallel>], iteration_bounds = array<i64: 2, 16>, scalar_prefetch = 0 : i64, scratch_operands = 12 : i64, tpu.core_type = #tpu.core_type<sc_vector_subcore>, window_params = [{transform_indices = #map}, {transform_indices = #map}, {transform_indices = #map}, {transform_indices = #map}]} {
    %mul3A = arith.constant 2 : i32
    %mul3A_0 = arith.muli %arg1, %mul3A : i32
    %add3A = arith.addi %mul3A_0, %arg0 : i32
    %mul3A_1 = arith.constant 3136 : i32
    %mul3A_2 = arith.muli %add3A, %mul3A_1 : i32
    %add3A_3 = arith.constant 3136 : i32
    %add3A_4 = arith.addi %mul3A_2, %add3A_3 : i32
    %iota3A = tpu.iota {dimensions = array<i32: 0>} : vector<16xi32>
    %eq3A = arith.constant 15 : i32
    %eq3A_5 = vector.broadcast %eq3A : i32 to vector<16xi32>
    %eq3A_6 = arith.cmpi eq, %iota3A, %eq3A_5 : vector<16xi32>
    "tpu.region"() ({
      %run_scoped3A = tpu.sem_alloc : memref<!tpu.dma_semaphore, #tpu.memory_space<semaphore_mem>>
      %dma_start3A_288 = tpu.memref_slice %arg4[%mul3A_2] : memref<100352xf32, #tpu.memory_space<hbm>> -> memref<3136xf32, #tpu.memory_space<hbm>>
      %dma_start3A_289 = tpu.memref_slice %arg4[%mul3A_2] : memref<100352xf32, #tpu.memory_space<hbm>> -> memref<3136xf32, #tpu.memory_space<hbm>>
      tpu.enqueue_dma source(%dma_start3A_289 : memref<3136xf32, #tpu.memory_space<hbm>>) target(%arg6 : memref<3136xf32, #tpu.memory_space<vmem>>) target_semaphore(%run_scoped3A : memref<!tpu.dma_semaphore, #tpu.memory_space<semaphore_mem>>)
      %dma_wait3A_290 = tpu.memref_slice %arg4[%mul3A_2] : memref<100352xf32, #tpu.memory_space<hbm>> -> memref<3136xf32, #tpu.memory_space<hbm>>
      %dma_wait3A_291 = tpu.memref_slice %arg4[%mul3A_2] : memref<100352xf32, #tpu.memory_space<hbm>> -> memref<3136xf32, #tpu.memory_space<hbm>>
      tpu.wait_dma2 semaphore(%run_scoped3A : memref<!tpu.dma_semaphore, #tpu.memory_space<semaphore_mem>>) src(%dma_wait3A_291 : memref<3136xf32, #tpu.memory_space<hbm>>) dst(%arg6 : memref<3136xf32, #tpu.memory_space<vmem>>)
      tpu.yield
    }) : () -> ()
    %scan3A = arith.constant 0 : i32
    %scan3A_7 = arith.constant 0 : i32
    %scan3A_8 = arith.constant 104 : i32
    %scan3A_9 = arith.addi %scan3A_7, %scan3A_8 : i32
    %scan3A_10 = arith.constant 8 : i32
    scf.for %scan3A_288 = %scan3A_7 to %scan3A_9 step %scan3A_10  : i32 {
      %mul3A_289 = arith.constant 16 : i32
      %mul3A_290 = arith.muli %scan3A_288, %mul3A_289 : i32
      %add3A_291 = vector.broadcast %mul3A_290 : i32 to vector<16xi32>
      %add3A_292 = arith.addi %add3A_291, %iota3A : vector<16xi32>
      %lt3A_293 = arith.constant 1600 : i32
      %lt3A_294 = vector.broadcast %lt3A_293 : i32 to vector<16xi32>
      %lt3A_295 = arith.cmpi slt, %add3A_292, %lt3A_294 : vector<16xi32>
      %mul3A_296 = arith.constant 4000 : i32
      %mul3A_297 = vector.broadcast %mul3A_296 : i32 to vector<16xi32>
      %mul3A_298 = arith.muli %add3A_292, %mul3A_297 : vector<16xi32>
      %jit3A_299 = arith.constant 0 : i32
      %broadcast_in_dim3A_300 = vector.broadcast %jit3A_299 : i32 to vector<16xi32>
      %select_n3A_301 = arith.select %lt3A_295, %mul3A_298, %broadcast_in_dim3A_300 : vector<16xi1>, vector<16xi32>
      %mul3A_302 = arith.constant 16 : i32
      %mul3A_303 = arith.muli %scan3A_288, %mul3A_302 : i32
      %swap3A_304 = arith.index_cast %mul3A_303 : i32 to index
      %swap3A_305 = tpu.vector_load %arg11[%swap3A_304] {strides = array<i32>} : memref<1664xi32, #tpu.memory_space<vmem>>, vector<16xi32>,
      tpu.vector_store %arg11[%swap3A_304], %select_n3A_301 {strides = array<i32>} : memref<1664xi32, #tpu.memory_space<vmem>>, vector<16xi32>,
      %scan3A_306 = arith.constant 1 : i32
      %scan3A_307 = arith.addi %scan3A_288, %scan3A_306 : i32
      %mul3A_308 = arith.constant 16 : i32
      %mul3A_309 = arith.muli %scan3A_307, %mul3A_308 : i32
      %add3A_310 = vector.broadcast %mul3A_309 : i32 to vector<16xi32>
      %add3A_311 = arith.addi %add3A_310, %iota3A : vector<16xi32>
      %lt3A_312 = arith.constant 1600 : i32
      %lt3A_313 = vector.broadcast %lt3A_312 : i32 to vector<16xi32>
      %lt3A_314 = arith.cmpi slt, %add3A_311, %lt3A_313 : vector<16xi32>
      %mul3A_315 = arith.constant 4000 : i32
      %mul3A_316 = vector.broadcast %mul3A_315 : i32 to vector<16xi32>
      %mul3A_317 = arith.muli %add3A_311, %mul3A_316 : vector<16xi32>
      %jit3A_318 = arith.constant 0 : i32
      %broadcast_in_dim3A_319 = vector.broadcast %jit3A_318 : i32 to vector<16xi32>
      %select_n3A_320 = arith.select %lt3A_314, %mul3A_317, %broadcast_in_dim3A_319 : vector<16xi1>, vector<16xi32>
      %mul3A_321 = arith.constant 16 : i32
      %mul3A_322 = arith.muli %scan3A_307, %mul3A_321 : i32
      %swap3A_323 = arith.index_cast %mul3A_322 : i32 to index
      %swap3A_324 = tpu.vector_load %arg11[%swap3A_323] {strides = array<i32>} : memref<1664xi32, #tpu.memory_space<vmem>>, vector<16xi32>,
      tpu.vector_store %arg11[%swap3A_323], %select_n3A_320 {strides = array<i32>} : memref<1664xi32, #tpu.memory_space<vmem>>, vector<16xi32>,
      %scan3A_325 = arith.constant 2 : i32
      %scan3A_326 = arith.addi %scan3A_288, %scan3A_325 : i32
      %mul3A_327 = arith.constant 16 : i32
      %mul3A_328 = arith.muli %scan3A_326, %mul3A_327 : i32
      %add3A_329 = vector.broadcast %mul3A_328 : i32 to vector<16xi32>
      %add3A_330 = arith.addi %add3A_329, %iota3A : vector<16xi32>
      %lt3A_331 = arith.constant 1600 : i32
      %lt3A_332 = vector.broadcast %lt3A_331 : i32 to vector<16xi32>
      %lt3A_333 = arith.cmpi slt, %add3A_330, %lt3A_332 : vector<16xi32>
      %mul3A_334 = arith.constant 4000 : i32
      %mul3A_335 = vector.broadcast %mul3A_334 : i32 to vector<16xi32>
      %mul3A_336 = arith.muli %add3A_330, %mul3A_335 : vector<16xi32>
      %jit3A_337 = arith.constant 0 : i32
      %broadcast_in_dim3A_338 = vector.broadcast %jit3A_337 : i32 to vector<16xi32>
      %select_n3A_339 = arith.select %lt3A_333, %mul3A_336, %broadcast_in_dim3A_338 : vector<16xi1>, vector<16xi32>
      %mul3A_340 = arith.constant 16 : i32
      %mul3A_341 = arith.muli %scan3A_326, %mul3A_340 : i32
      %swap3A_342 = arith.index_cast %mul3A_341 : i32 to index
      %swap3A_343 = tpu.vector_load %arg11[%swap3A_342] {strides = array<i32>} : memref<1664xi32, #tpu.memory_space<vmem>>, vector<16xi32>,
      tpu.vector_store %arg11[%swap3A_342], %select_n3A_339 {strides = array<i32>} : memref<1664xi32, #tpu.memory_space<vmem>>, vector<16xi32>,
      %scan3A_344 = arith.constant 3 : i32
      %scan3A_345 = arith.addi %scan3A_288, %scan3A_344 : i32
      %mul3A_346 = arith.constant 16 : i32
      %mul3A_347 = arith.muli %scan3A_345, %mul3A_346 : i32
      %add3A_348 = vector.broadcast %mul3A_347 : i32 to vector<16xi32>
      %add3A_349 = arith.addi %add3A_348, %iota3A : vector<16xi32>
      %lt3A_350 = arith.constant 1600 : i32
      %lt3A_351 = vector.broadcast %lt3A_350 : i32 to vector<16xi32>
      %lt3A_352 = arith.cmpi slt, %add3A_349, %lt3A_351 : vector<16xi32>
      %mul3A_353 = arith.constant 4000 : i32
      %mul3A_354 = vector.broadcast %mul3A_353 : i32 to vector<16xi32>
      %mul3A_355 = arith.muli %add3A_349, %mul3A_354 : vector<16xi32>
      %jit3A_356 = arith.constant 0 : i32
      %broadcast_in_dim3A_357 = vector.broadcast %jit3A_356 : i32 to vector<16xi32>
      %select_n3A_358 = arith.select %lt3A_352, %mul3A_355, %broadcast_in_dim3A_357 : vector<16xi1>, vector<16xi32>
      %mul3A_359 = arith.constant 16 : i32
      %mul3A_360 = arith.muli %scan3A_345, %mul3A_359 : i32
      %swap3A_361 = arith.index_cast %mul3A_360 : i32 to index
      %swap3A_362 = tpu.vector_load %arg11[%swap3A_361] {strides = array<i32>} : memref<1664xi32, #tpu.memory_space<vmem>>, vector<16xi32>,
      tpu.vector_store %arg11[%swap3A_361], %select_n3A_358 {strides = array<i32>} : memref<1664xi32, #tpu.memory_space<vmem>>, vector<16xi32>,
      %scan3A_363 = arith.constant 4 : i32
      %scan3A_364 = arith.addi %scan3A_288, %scan3A_363 : i32
      %mul3A_365 = arith.constant 16 : i32
      %mul3A_366 = arith.muli %scan3A_364, %mul3A_365 : i32
      %add3A_367 = vector.broadcast %mul3A_366 : i32 to vector<16xi32>
      %add3A_368 = arith.addi %add3A_367, %iota3A : vector<16xi32>
      %lt3A_369 = arith.constant 1600 : i32
      %lt3A_370 = vector.broadcast %lt3A_369 : i32 to vector<16xi32>
      %lt3A_371 = arith.cmpi slt, %add3A_368, %lt3A_370 : vector<16xi32>
      %mul3A_372 = arith.constant 4000 : i32
      %mul3A_373 = vector.broadcast %mul3A_372 : i32 to vector<16xi32>
      %mul3A_374 = arith.muli %add3A_368, %mul3A_373 : vector<16xi32>
      %jit3A_375 = arith.constant 0 : i32
      %broadcast_in_dim3A_376 = vector.broadcast %jit3A_375 : i32 to vector<16xi32>
      %select_n3A_377 = arith.select %lt3A_371, %mul3A_374, %broadcast_in_dim3A_376 : vector<16xi1>, vector<16xi32>
      %mul3A_378 = arith.constant 16 : i32
      %mul3A_379 = arith.muli %scan3A_364, %mul3A_378 : i32
      %swap3A_380 = arith.index_cast %mul3A_379 : i32 to index
      %swap3A_381 = tpu.vector_load %arg11[%swap3A_380] {strides = array<i32>} : memref<1664xi32, #tpu.memory_space<vmem>>, vector<16xi32>,
      tpu.vector_store %arg11[%swap3A_380], %select_n3A_377 {strides = array<i32>} : memref<1664xi32, #tpu.memory_space<vmem>>, vector<16xi32>,
      %scan3A_382 = arith.constant 5 : i32
      %scan3A_383 = arith.addi %scan3A_288, %scan3A_382 : i32
      %mul3A_384 = arith.constant 16 : i32
      %mul3A_385 = arith.muli %scan3A_383, %mul3A_384 : i32
      %add3A_386 = vector.broadcast %mul3A_385 : i32 to vector<16xi32>
      %add3A_387 = arith.addi %add3A_386, %iota3A : vector<16xi32>
      %lt3A_388 = arith.constant 1600 : i32
      %lt3A_389 = vector.broadcast %lt3A_388 : i32 to vector<16xi32>
      %lt3A_390 = arith.cmpi slt, %add3A_387, %lt3A_389 : vector<16xi32>
      %mul3A_391 = arith.constant 4000 : i32
      %mul3A_392 = vector.broadcast %mul3A_391 : i32 to vector<16xi32>
      %mul3A_393 = arith.muli %add3A_387, %mul3A_392 : vector<16xi32>
      %jit3A_394 = arith.constant 0 : i32
      %broadcast_in_dim3A_395 = vector.broadcast %jit3A_394 : i32 to vector<16xi32>
      %select_n3A_396 = arith.select %lt3A_390, %mul3A_393, %broadcast_in_dim3A_395 : vector<16xi1>, vector<16xi32>
      %mul3A_397 = arith.constant 16 : i32
      %mul3A_398 = arith.muli %scan3A_383, %mul3A_397 : i32
      %swap3A_399 = arith.index_cast %mul3A_398 : i32 to index
      %swap3A_400 = tpu.vector_load %arg11[%swap3A_399] {strides = array<i32>} : memref<1664xi32, #tpu.memory_space<vmem>>, vector<16xi32>,
      tpu.vector_store %arg11[%swap3A_399], %select_n3A_396 {strides = array<i32>} : memref<1664xi32, #tpu.memory_space<vmem>>, vector<16xi32>,
      %scan3A_401 = arith.constant 6 : i32
      %scan3A_402 = arith.addi %scan3A_288, %scan3A_401 : i32
      %mul3A_403 = arith.constant 16 : i32
      %mul3A_404 = arith.muli %scan3A_402, %mul3A_403 : i32
      %add3A_405 = vector.broadcast %mul3A_404 : i32 to vector<16xi32>
      %add3A_406 = arith.addi %add3A_405, %iota3A : vector<16xi32>
      %lt3A_407 = arith.constant 1600 : i32
      %lt3A_408 = vector.broadcast %lt3A_407 : i32 to vector<16xi32>
      %lt3A_409 = arith.cmpi slt, %add3A_406, %lt3A_408 : vector<16xi32>
      %mul3A_410 = arith.constant 4000 : i32
      %mul3A_411 = vector.broadcast %mul3A_410 : i32 to vector<16xi32>
      %mul3A_412 = arith.muli %add3A_406, %mul3A_411 : vector<16xi32>
      %jit3A_413 = arith.constant 0 : i32
      %broadcast_in_dim3A_414 = vector.broadcast %jit3A_413 : i32 to vector<16xi32>
      %select_n3A_415 = arith.select %lt3A_409, %mul3A_412, %broadcast_in_dim3A_414 : vector<16xi1>, vector<16xi32>
      %mul3A_416 = arith.constant 16 : i32
      %mul3A_417 = arith.muli %scan3A_402, %mul3A_416 : i32
      %swap3A_418 = arith.index_cast %mul3A_417 : i32 to index
      %swap3A_419 = tpu.vector_load %arg11[%swap3A_418] {strides = array<i32>} : memref<1664xi32, #tpu.memory_space<vmem>>, vector<16xi32>,
      tpu.vector_store %arg11[%swap3A_418], %select_n3A_415 {strides = array<i32>} : memref<1664xi32, #tpu.memory_space<vmem>>, vector<16xi32>,
      %scan3A_420 = arith.constant 7 : i32
      %scan3A_421 = arith.addi %scan3A_288, %scan3A_420 : i32
      %mul3A_422 = arith.constant 16 : i32
      %mul3A_423 = arith.muli %scan3A_421, %mul3A_422 : i32
      %add3A_424 = vector.broadcast %mul3A_423 : i32 to vector<16xi32>
      %add3A_425 = arith.addi %add3A_424, %iota3A : vector<16xi32>
      %lt3A_426 = arith.constant 1600 : i32
      %lt3A_427 = vector.broadcast %lt3A_426 : i32 to vector<16xi32>
      %lt3A_428 = arith.cmpi slt, %add3A_425, %lt3A_427 : vector<16xi32>
      %mul3A_429 = arith.constant 4000 : i32
      %mul3A_430 = vector.broadcast %mul3A_429 : i32 to vector<16xi32>
      %mul3A_431 = arith.muli %add3A_425, %mul3A_430 : vector<16xi32>
      %jit3A_432 = arith.constant 0 : i32
      %broadcast_in_dim3A_433 = vector.broadcast %jit3A_432 : i32 to vector<16xi32>
      %select_n3A_434 = arith.select %lt3A_428, %mul3A_431, %broadcast_in_dim3A_433 : vector<16xi1>, vector<16xi32>
      %mul3A_435 = arith.constant 16 : i32
      %mul3A_436 = arith.muli %scan3A_421, %mul3A_435 : i32
      %swap3A_437 = arith.index_cast %mul3A_436 : i32 to index
      %swap3A_438 = tpu.vector_load %arg11[%swap3A_437] {strides = array<i32>} : memref<1664xi32, #tpu.memory_space<vmem>>, vector<16xi32>,
      tpu.vector_store %arg11[%swap3A_437], %select_n3A_434 {strides = array<i32>} : memref<1664xi32, #tpu.memory_space<vmem>>, vector<16xi32>,
    }
    %scan3A_11 = arith.constant 104 : i32
    %dma_start3A = arith.constant 0 : i32
    %dma_start3A_12 = tpu.memref_slice %arg12[%dma_start3A] : memref<1664xi32, #tpu.memory_space<vmem>> -> memref<128xi32, #tpu.memory_space<vmem>>
    %dma_start3A_13 = arith.constant 0 : i32
    %dma_start3A_14 = tpu.memref_slice %arg11[%dma_start3A_13] : memref<1664xi32, #tpu.memory_space<vmem>> -> memref<128xi32, #tpu.memory_space<vmem>>
    %dma_start3A_15 = arith.constant 0 : i32
    %dma_start3A_16 = tpu.memref_slice %arg3[%dma_start3A_15] : memref<6400000xi32, #tpu.memory_space<hbm>> -> memref<6400000xi32, #tpu.memory_space<hbm>>
    tpu.enqueue_indirect_dma source(%dma_start3A_16 : memref<6400000xi32, #tpu.memory_space<hbm>>) target(%dma_start3A_12 : memref<128xi32, #tpu.memory_space<vmem>>) offsets(%dma_start3A_14 : memref<128xi32, #tpu.memory_space<vmem>>) semaphore(%arg17 : memref<!tpu.dma_semaphore, #tpu.memory_space<semaphore_mem>>)
    %dma_start3A_17 = arith.constant 128 : i32
    %dma_start3A_18 = tpu.memref_slice %arg12[%dma_start3A_17] : memref<1664xi32, #tpu.memory_space<vmem>> -> memref<128xi32, #tpu.memory_space<vmem>>
    %dma_start3A_19 = arith.constant 128 : i32
    %dma_start3A_20 = tpu.memref_slice %arg11[%dma_start3A_19] : memref<1664xi32, #tpu.memory_space<vmem>> -> memref<128xi32, #tpu.memory_space<vmem>>
    %dma_start3A_21 = arith.constant 0 : i32
    %dma_start3A_22 = tpu.memref_slice %arg3[%dma_start3A_21] : memref<6400000xi32, #tpu.memory_space<hbm>> -> memref<6400000xi32, #tpu.memory_space<hbm>>
    tpu.enqueue_indirect_dma source(%dma_start3A_22 : memref<6400000xi32, #tpu.memory_space<hbm>>) target(%dma_start3A_18 : memref<128xi32, #tpu.memory_space<vmem>>) offsets(%dma_start3A_20 : memref<128xi32, #tpu.memory_space<vmem>>) semaphore(%arg17 : memref<!tpu.dma_semaphore, #tpu.memory_space<semaphore_mem>>)
    %dma_start3A_23 = arith.constant 256 : i32
    %dma_start3A_24 = tpu.memref_slice %arg12[%dma_start3A_23] : memref<1664xi32, #tpu.memory_space<vmem>> -> memref<128xi32, #tpu.memory_space<vmem>>
    %dma_start3A_25 = arith.constant 256 : i32
    %dma_start3A_26 = tpu.memref_slice %arg11[%dma_start3A_25] : memref<1664xi32, #tpu.memory_space<vmem>> -> memref<128xi32, #tpu.memory_space<vmem>>
    %dma_start3A_27 = arith.constant 0 : i32
    %dma_start3A_28 = tpu.memref_slice %arg3[%dma_start3A_27] : memref<6400000xi32, #tpu.memory_space<hbm>> -> memref<6400000xi32, #tpu.memory_space<hbm>>
    tpu.enqueue_indirect_dma source(%dma_start3A_28 : memref<6400000xi32, #tpu.memory_space<hbm>>) target(%dma_start3A_24 : memref<128xi32, #tpu.memory_space<vmem>>) offsets(%dma_start3A_26 : memref<128xi32, #tpu.memory_space<vmem>>) semaphore(%arg17 : memref<!tpu.dma_semaphore, #tpu.memory_space<semaphore_mem>>)
    %dma_start3A_29 = arith.constant 384 : i32
    %dma_start3A_30 = tpu.memref_slice %arg12[%dma_start3A_29] : memref<1664xi32, #tpu.memory_space<vmem>> -> memref<128xi32, #tpu.memory_space<vmem>>
    %dma_start3A_31 = arith.constant 384 : i32
    %dma_start3A_32 = tpu.memref_slice %arg11[%dma_start3A_31] : memref<1664xi32, #tpu.memory_space<vmem>> -> memref<128xi32, #tpu.memory_space<vmem>>
    %dma_start3A_33 = arith.constant 0 : i32
    %dma_start3A_34 = tpu.memref_slice %arg3[%dma_start3A_33] : memref<6400000xi32, #tpu.memory_space<hbm>> -> memref<6400000xi32, #tpu.memory_space<hbm>>
    tpu.enqueue_indirect_dma source(%dma_start3A_34 : memref<6400000xi32, #tpu.memory_space<hbm>>) target(%dma_start3A_30 : memref<128xi32, #tpu.memory_space<vmem>>) offsets(%dma_start3A_32 : memref<128xi32, #tpu.memory_space<vmem>>) semaphore(%arg17 : memref<!tpu.dma_semaphore, #tpu.memory_space<semaphore_mem>>)
    %dma_start3A_35 = arith.constant 512 : i32
    %dma_start3A_36 = tpu.memref_slice %arg12[%dma_start3A_35] : memref<1664xi32, #tpu.memory_space<vmem>> -> memref<128xi32, #tpu.memory_space<vmem>>
    %dma_start3A_37 = arith.constant 512 : i32
    %dma_start3A_38 = tpu.memref_slice %arg11[%dma_start3A_37] : memref<1664xi32, #tpu.memory_space<vmem>> -> memref<128xi32, #tpu.memory_space<vmem>>
    %dma_start3A_39 = arith.constant 0 : i32
    %dma_start3A_40 = tpu.memref_slice %arg3[%dma_start3A_39] : memref<6400000xi32, #tpu.memory_space<hbm>> -> memref<6400000xi32, #tpu.memory_space<hbm>>
    tpu.enqueue_indirect_dma source(%dma_start3A_40 : memref<6400000xi32, #tpu.memory_space<hbm>>) target(%dma_start3A_36 : memref<128xi32, #tpu.memory_space<vmem>>) offsets(%dma_start3A_38 : memref<128xi32, #tpu.memory_space<vmem>>) semaphore(%arg17 : memref<!tpu.dma_semaphore, #tpu.memory_space<semaphore_mem>>)
    %dma_start3A_41 = arith.constant 640 : i32
    %dma_start3A_42 = tpu.memref_slice %arg12[%dma_start3A_41] : memref<1664xi32, #tpu.memory_space<vmem>> -> memref<128xi32, #tpu.memory_space<vmem>>
    %dma_start3A_43 = arith.constant 640 : i32
    %dma_start3A_44 = tpu.memref_slice %arg11[%dma_start3A_43] : memref<1664xi32, #tpu.memory_space<vmem>> -> memref<128xi32, #tpu.memory_space<vmem>>
    %dma_start3A_45 = arith.constant 0 : i32
    %dma_start3A_46 = tpu.memref_slice %arg3[%dma_start3A_45] : memref<6400000xi32, #tpu.memory_space<hbm>> -> memref<6400000xi32, #tpu.memory_space<hbm>>
    tpu.enqueue_indirect_dma source(%dma_start3A_46 : memref<6400000xi32, #tpu.memory_space<hbm>>) target(%dma_start3A_42 : memref<128xi32, #tpu.memory_space<vmem>>) offsets(%dma_start3A_44 : memref<128xi32, #tpu.memory_space<vmem>>) semaphore(%arg17 : memref<!tpu.dma_semaphore, #tpu.memory_space<semaphore_mem>>)
    %dma_start3A_47 = arith.constant 768 : i32
    %dma_start3A_48 = tpu.memref_slice %arg12[%dma_start3A_47] : memref<1664xi32, #tpu.memory_space<vmem>> -> memref<128xi32, #tpu.memory_space<vmem>>
    %dma_start3A_49 = arith.constant 768 : i32
    %dma_start3A_50 = tpu.memref_slice %arg11[%dma_start3A_49] : memref<1664xi32, #tpu.memory_space<vmem>> -> memref<128xi32, #tpu.memory_space<vmem>>
    %dma_start3A_51 = arith.constant 0 : i32
    %dma_start3A_52 = tpu.memref_slice %arg3[%dma_start3A_51] : memref<6400000xi32, #tpu.memory_space<hbm>> -> memref<6400000xi32, #tpu.memory_space<hbm>>
    tpu.enqueue_indirect_dma source(%dma_start3A_52 : memref<6400000xi32, #tpu.memory_space<hbm>>) target(%dma_start3A_48 : memref<128xi32, #tpu.memory_space<vmem>>) offsets(%dma_start3A_50 : memref<128xi32, #tpu.memory_space<vmem>>) semaphore(%arg17 : memref<!tpu.dma_semaphore, #tpu.memory_space<semaphore_mem>>)
    %dma_start3A_53 = arith.constant 896 : i32
    %dma_start3A_54 = tpu.memref_slice %arg12[%dma_start3A_53] : memref<1664xi32, #tpu.memory_space<vmem>> -> memref<128xi32, #tpu.memory_space<vmem>>
    %dma_start3A_55 = arith.constant 896 : i32
    %dma_start3A_56 = tpu.memref_slice %arg11[%dma_start3A_55] : memref<1664xi32, #tpu.memory_space<vmem>> -> memref<128xi32, #tpu.memory_space<vmem>>
    %dma_start3A_57 = arith.constant 0 : i32
    %dma_start3A_58 = tpu.memref_slice %arg3[%dma_start3A_57] : memref<6400000xi32, #tpu.memory_space<hbm>> -> memref<6400000xi32, #tpu.memory_space<hbm>>
    tpu.enqueue_indirect_dma source(%dma_start3A_58 : memref<6400000xi32, #tpu.memory_space<hbm>>) target(%dma_start3A_54 : memref<128xi32, #tpu.memory_space<vmem>>) offsets(%dma_start3A_56 : memref<128xi32, #tpu.memory_space<vmem>>) semaphore(%arg17 : memref<!tpu.dma_semaphore, #tpu.memory_space<semaphore_mem>>)
    %dma_start3A_59 = arith.constant 1024 : i32
    %dma_start3A_60 = tpu.memref_slice %arg12[%dma_start3A_59] : memref<1664xi32, #tpu.memory_space<vmem>> -> memref<128xi32, #tpu.memory_space<vmem>>
    %dma_start3A_61 = arith.constant 1024 : i32
    %dma_start3A_62 = tpu.memref_slice %arg11[%dma_start3A_61] : memref<1664xi32, #tpu.memory_space<vmem>> -> memref<128xi32, #tpu.memory_space<vmem>>
    %dma_start3A_63 = arith.constant 0 : i32
    %dma_start3A_64 = tpu.memref_slice %arg3[%dma_start3A_63] : memref<6400000xi32, #tpu.memory_space<hbm>> -> memref<6400000xi32, #tpu.memory_space<hbm>>
    tpu.enqueue_indirect_dma source(%dma_start3A_64 : memref<6400000xi32, #tpu.memory_space<hbm>>) target(%dma_start3A_60 : memref<128xi32, #tpu.memory_space<vmem>>) offsets(%dma_start3A_62 : memref<128xi32, #tpu.memory_space<vmem>>) semaphore(%arg17 : memref<!tpu.dma_semaphore, #tpu.memory_space<semaphore_mem>>)
    %dma_start3A_65 = arith.constant 1152 : i32
    %dma_start3A_66 = tpu.memref_slice %arg12[%dma_start3A_65] : memref<1664xi32, #tpu.memory_space<vmem>> -> memref<128xi32, #tpu.memory_space<vmem>>
    %dma_start3A_67 = arith.constant 1152 : i32
    %dma_start3A_68 = tpu.memref_slice %arg11[%dma_start3A_67] : memref<1664xi32, #tpu.memory_space<vmem>> -> memref<128xi32, #tpu.memory_space<vmem>>
    %dma_start3A_69 = arith.constant 0 : i32
    %dma_start3A_70 = tpu.memref_slice %arg3[%dma_start3A_69] : memref<6400000xi32, #tpu.memory_space<hbm>> -> memref<6400000xi32, #tpu.memory_space<hbm>>
    tpu.enqueue_indirect_dma source(%dma_start3A_70 : memref<6400000xi32, #tpu.memory_space<hbm>>) target(%dma_start3A_66 : memref<128xi32, #tpu.memory_space<vmem>>) offsets(%dma_start3A_68 : memref<128xi32, #tpu.memory_space<vmem>>) semaphore(%arg17 : memref<!tpu.dma_semaphore, #tpu.memory_space<semaphore_mem>>)
    %dma_start3A_71 = arith.constant 1280 : i32
    %dma_start3A_72 = tpu.memref_slice %arg12[%dma_start3A_71] : memref<1664xi32, #tpu.memory_space<vmem>> -> memref<128xi32, #tpu.memory_space<vmem>>
    %dma_start3A_73 = arith.constant 1280 : i32
    %dma_start3A_74 = tpu.memref_slice %arg11[%dma_start3A_73] : memref<1664xi32, #tpu.memory_space<vmem>> -> memref<128xi32, #tpu.memory_space<vmem>>
    %dma_start3A_75 = arith.constant 0 : i32
    %dma_start3A_76 = tpu.memref_slice %arg3[%dma_start3A_75] : memref<6400000xi32, #tpu.memory_space<hbm>> -> memref<6400000xi32, #tpu.memory_space<hbm>>
    tpu.enqueue_indirect_dma source(%dma_start3A_76 : memref<6400000xi32, #tpu.memory_space<hbm>>) target(%dma_start3A_72 : memref<128xi32, #tpu.memory_space<vmem>>) offsets(%dma_start3A_74 : memref<128xi32, #tpu.memory_space<vmem>>) semaphore(%arg17 : memref<!tpu.dma_semaphore, #tpu.memory_space<semaphore_mem>>)
    %dma_start3A_77 = arith.constant 1408 : i32
    %dma_start3A_78 = tpu.memref_slice %arg12[%dma_start3A_77] : memref<1664xi32, #tpu.memory_space<vmem>> -> memref<128xi32, #tpu.memory_space<vmem>>
    %dma_start3A_79 = arith.constant 1408 : i32
    %dma_start3A_80 = tpu.memref_slice %arg11[%dma_start3A_79] : memref<1664xi32, #tpu.memory_space<vmem>> -> memref<128xi32, #tpu.memory_space<vmem>>
    %dma_start3A_81 = arith.constant 0 : i32
    %dma_start3A_82 = tpu.memref_slice %arg3[%dma_start3A_81] : memref<6400000xi32, #tpu.memory_space<hbm>> -> memref<6400000xi32, #tpu.memory_space<hbm>>
    tpu.enqueue_indirect_dma source(%dma_start3A_82 : memref<6400000xi32, #tpu.memory_space<hbm>>) target(%dma_start3A_78 : memref<128xi32, #tpu.memory_space<vmem>>) offsets(%dma_start3A_80 : memref<128xi32, #tpu.memory_space<vmem>>) semaphore(%arg17 : memref<!tpu.dma_semaphore, #tpu.memory_space<semaphore_mem>>)
    %dma_start3A_83 = arith.constant 1536 : i32
    %dma_start3A_84 = tpu.memref_slice %arg12[%dma_start3A_83] : memref<1664xi32, #tpu.memory_space<vmem>> -> memref<128xi32, #tpu.memory_space<vmem>>
    %dma_start3A_85 = arith.constant 1536 : i32
    %dma_start3A_86 = tpu.memref_slice %arg11[%dma_start3A_85] : memref<1664xi32, #tpu.memory_space<vmem>> -> memref<128xi32, #tpu.memory_space<vmem>>
    %dma_start3A_87 = arith.constant 0 : i32
    %dma_start3A_88 = tpu.memref_slice %arg3[%dma_start3A_87] : memref<6400000xi32, #tpu.memory_space<hbm>> -> memref<6400000xi32, #tpu.memory_space<hbm>>
    tpu.enqueue_indirect_dma source(%dma_start3A_88 : memref<6400000xi32, #tpu.memory_space<hbm>>) target(%dma_start3A_84 : memref<128xi32, #tpu.memory_space<vmem>>) offsets(%dma_start3A_86 : memref<128xi32, #tpu.memory_space<vmem>>) semaphore(%arg17 : memref<!tpu.dma_semaphore, #tpu.memory_space<semaphore_mem>>)
    %dma_wait3A = arith.constant 0 : i32
    %dma_wait3A_89 = tpu.memref_slice %arg12[%dma_wait3A] : memref<1664xi32, #tpu.memory_space<vmem>> -> memref<128xi32, #tpu.memory_space<vmem>>
    %dma_wait3A_90 = arith.constant 0 : i32
    %dma_wait3A_91 = tpu.memref_slice %arg11[%dma_wait3A_90] : memref<1664xi32, #tpu.memory_space<vmem>> -> memref<128xi32, #tpu.memory_space<vmem>>
    %dma_wait3A_92 = arith.constant 0 : i32
    %dma_wait3A_93 = tpu.memref_slice %arg3[%dma_wait3A_92] : memref<6400000xi32, #tpu.memory_space<hbm>> -> memref<6400000xi32, #tpu.memory_space<hbm>>
    tpu.wait_indirect_dma semaphore(%arg17 : memref<!tpu.dma_semaphore, #tpu.memory_space<semaphore_mem>>) src(%dma_wait3A_93 : memref<6400000xi32, #tpu.memory_space<hbm>>) dst(%dma_wait3A_89 : memref<128xi32, #tpu.memory_space<vmem>>)
    %dma_wait3A_94 = arith.constant 128 : i32
    %dma_wait3A_95 = tpu.memref_slice %arg12[%dma_wait3A_94] : memref<1664xi32, #tpu.memory_space<vmem>> -> memref<128xi32, #tpu.memory_space<vmem>>
    %dma_wait3A_96 = arith.constant 128 : i32
    %dma_wait3A_97 = tpu.memref_slice %arg11[%dma_wait3A_96] : memref<1664xi32, #tpu.memory_space<vmem>> -> memref<128xi32, #tpu.memory_space<vmem>>
    %dma_wait3A_98 = arith.constant 0 : i32
    %dma_wait3A_99 = tpu.memref_slice %arg3[%dma_wait3A_98] : memref<6400000xi32, #tpu.memory_space<hbm>> -> memref<6400000xi32, #tpu.memory_space<hbm>>
    tpu.wait_indirect_dma semaphore(%arg17 : memref<!tpu.dma_semaphore, #tpu.memory_space<semaphore_mem>>) src(%dma_wait3A_99 : memref<6400000xi32, #tpu.memory_space<hbm>>) dst(%dma_wait3A_95 : memref<128xi32, #tpu.memory_space<vmem>>)
    %dma_wait3A_100 = arith.constant 256 : i32
    %dma_wait3A_101 = tpu.memref_slice %arg12[%dma_wait3A_100] : memref<1664xi32, #tpu.memory_space<vmem>> -> memref<128xi32, #tpu.memory_space<vmem>>
    %dma_wait3A_102 = arith.constant 256 : i32
    %dma_wait3A_103 = tpu.memref_slice %arg11[%dma_wait3A_102] : memref<1664xi32, #tpu.memory_space<vmem>> -> memref<128xi32, #tpu.memory_space<vmem>>
    %dma_wait3A_104 = arith.constant 0 : i32
    %dma_wait3A_105 = tpu.memref_slice %arg3[%dma_wait3A_104] : memref<6400000xi32, #tpu.memory_space<hbm>> -> memref<6400000xi32, #tpu.memory_space<hbm>>
    tpu.wait_indirect_dma semaphore(%arg17 : memref<!tpu.dma_semaphore, #tpu.memory_space<semaphore_mem>>) src(%dma_wait3A_105 : memref<6400000xi32, #tpu.memory_space<hbm>>) dst(%dma_wait3A_101 : memref<128xi32, #tpu.memory_space<vmem>>)
    %dma_wait3A_106 = arith.constant 384 : i32
    %dma_wait3A_107 = tpu.memref_slice %arg12[%dma_wait3A_106] : memref<1664xi32, #tpu.memory_space<vmem>> -> memref<128xi32, #tpu.memory_space<vmem>>
    %dma_wait3A_108 = arith.constant 384 : i32
    %dma_wait3A_109 = tpu.memref_slice %arg11[%dma_wait3A_108] : memref<1664xi32, #tpu.memory_space<vmem>> -> memref<128xi32, #tpu.memory_space<vmem>>
    %dma_wait3A_110 = arith.constant 0 : i32
    %dma_wait3A_111 = tpu.memref_slice %arg3[%dma_wait3A_110] : memref<6400000xi32, #tpu.memory_space<hbm>> -> memref<6400000xi32, #tpu.memory_space<hbm>>
    tpu.wait_indirect_dma semaphore(%arg17 : memref<!tpu.dma_semaphore, #tpu.memory_space<semaphore_mem>>) src(%dma_wait3A_111 : memref<6400000xi32, #tpu.memory_space<hbm>>) dst(%dma_wait3A_107 : memref<128xi32, #tpu.memory_space<vmem>>)
    %dma_wait3A_112 = arith.constant 512 : i32
    %dma_wait3A_113 = tpu.memref_slice %arg12[%dma_wait3A_112] : memref<1664xi32, #tpu.memory_space<vmem>> -> memref<128xi32, #tpu.memory_space<vmem>>
    %dma_wait3A_114 = arith.constant 512 : i32
    %dma_wait3A_115 = tpu.memref_slice %arg11[%dma_wait3A_114] : memref<1664xi32, #tpu.memory_space<vmem>> -> memref<128xi32, #tpu.memory_space<vmem>>
    %dma_wait3A_116 = arith.constant 0 : i32
    %dma_wait3A_117 = tpu.memref_slice %arg3[%dma_wait3A_116] : memref<6400000xi32, #tpu.memory_space<hbm>> -> memref<6400000xi32, #tpu.memory_space<hbm>>
    tpu.wait_indirect_dma semaphore(%arg17 : memref<!tpu.dma_semaphore, #tpu.memory_space<semaphore_mem>>) src(%dma_wait3A_117 : memref<6400000xi32, #tpu.memory_space<hbm>>) dst(%dma_wait3A_113 : memref<128xi32, #tpu.memory_space<vmem>>)
    %dma_wait3A_118 = arith.constant 640 : i32
    %dma_wait3A_119 = tpu.memref_slice %arg12[%dma_wait3A_118] : memref<1664xi32, #tpu.memory_space<vmem>> -> memref<128xi32, #tpu.memory_space<vmem>>
    %dma_wait3A_120 = arith.constant 640 : i32
    %dma_wait3A_121 = tpu.memref_slice %arg11[%dma_wait3A_120] : memref<1664xi32, #tpu.memory_space<vmem>> -> memref<128xi32, #tpu.memory_space<vmem>>
    %dma_wait3A_122 = arith.constant 0 : i32
    %dma_wait3A_123 = tpu.memref_slice %arg3[%dma_wait3A_122] : memref<6400000xi32, #tpu.memory_space<hbm>> -> memref<6400000xi32, #tpu.memory_space<hbm>>
    tpu.wait_indirect_dma semaphore(%arg17 : memref<!tpu.dma_semaphore, #tpu.memory_space<semaphore_mem>>) src(%dma_wait3A_123 : memref<6400000xi32, #tpu.memory_space<hbm>>) dst(%dma_wait3A_119 : memref<128xi32, #tpu.memory_space<vmem>>)
    %dma_wait3A_124 = arith.constant 768 : i32
    %dma_wait3A_125 = tpu.memref_slice %arg12[%dma_wait3A_124] : memref<1664xi32, #tpu.memory_space<vmem>> -> memref<128xi32, #tpu.memory_space<vmem>>
    %dma_wait3A_126 = arith.constant 768 : i32
    %dma_wait3A_127 = tpu.memref_slice %arg11[%dma_wait3A_126] : memref<1664xi32, #tpu.memory_space<vmem>> -> memref<128xi32, #tpu.memory_space<vmem>>
    %dma_wait3A_128 = arith.constant 0 : i32
    %dma_wait3A_129 = tpu.memref_slice %arg3[%dma_wait3A_128] : memref<6400000xi32, #tpu.memory_space<hbm>> -> memref<6400000xi32, #tpu.memory_space<hbm>>
    tpu.wait_indirect_dma semaphore(%arg17 : memref<!tpu.dma_semaphore, #tpu.memory_space<semaphore_mem>>) src(%dma_wait3A_129 : memref<6400000xi32, #tpu.memory_space<hbm>>) dst(%dma_wait3A_125 : memref<128xi32, #tpu.memory_space<vmem>>)
    %dma_wait3A_130 = arith.constant 896 : i32
    %dma_wait3A_131 = tpu.memref_slice %arg12[%dma_wait3A_130] : memref<1664xi32, #tpu.memory_space<vmem>> -> memref<128xi32, #tpu.memory_space<vmem>>
    %dma_wait3A_132 = arith.constant 896 : i32
    %dma_wait3A_133 = tpu.memref_slice %arg11[%dma_wait3A_132] : memref<1664xi32, #tpu.memory_space<vmem>> -> memref<128xi32, #tpu.memory_space<vmem>>
    %dma_wait3A_134 = arith.constant 0 : i32
    %dma_wait3A_135 = tpu.memref_slice %arg3[%dma_wait3A_134] : memref<6400000xi32, #tpu.memory_space<hbm>> -> memref<6400000xi32, #tpu.memory_space<hbm>>
    tpu.wait_indirect_dma semaphore(%arg17 : memref<!tpu.dma_semaphore, #tpu.memory_space<semaphore_mem>>) src(%dma_wait3A_135 : memref<6400000xi32, #tpu.memory_space<hbm>>) dst(%dma_wait3A_131 : memref<128xi32, #tpu.memory_space<vmem>>)
    %dma_wait3A_136 = arith.constant 1024 : i32
    %dma_wait3A_137 = tpu.memref_slice %arg12[%dma_wait3A_136] : memref<1664xi32, #tpu.memory_space<vmem>> -> memref<128xi32, #tpu.memory_space<vmem>>
    %dma_wait3A_138 = arith.constant 1024 : i32
    %dma_wait3A_139 = tpu.memref_slice %arg11[%dma_wait3A_138] : memref<1664xi32, #tpu.memory_space<vmem>> -> memref<128xi32, #tpu.memory_space<vmem>>
    %dma_wait3A_140 = arith.constant 0 : i32
    %dma_wait3A_141 = tpu.memref_slice %arg3[%dma_wait3A_140] : memref<6400000xi32, #tpu.memory_space<hbm>> -> memref<6400000xi32, #tpu.memory_space<hbm>>
    tpu.wait_indirect_dma semaphore(%arg17 : memref<!tpu.dma_semaphore, #tpu.memory_space<semaphore_mem>>) src(%dma_wait3A_141 : memref<6400000xi32, #tpu.memory_space<hbm>>) dst(%dma_wait3A_137 : memref<128xi32, #tpu.memory_space<vmem>>)
    %dma_wait3A_142 = arith.constant 1152 : i32
    %dma_wait3A_143 = tpu.memref_slice %arg12[%dma_wait3A_142] : memref<1664xi32, #tpu.memory_space<vmem>> -> memref<128xi32, #tpu.memory_space<vmem>>
    %dma_wait3A_144 = arith.constant 1152 : i32
    %dma_wait3A_145 = tpu.memref_slice %arg11[%dma_wait3A_144] : memref<1664xi32, #tpu.memory_space<vmem>> -> memref<128xi32, #tpu.memory_space<vmem>>
    %dma_wait3A_146 = arith.constant 0 : i32
    %dma_wait3A_147 = tpu.memref_slice %arg3[%dma_wait3A_146] : memref<6400000xi32, #tpu.memory_space<hbm>> -> memref<6400000xi32, #tpu.memory_space<hbm>>
    tpu.wait_indirect_dma semaphore(%arg17 : memref<!tpu.dma_semaphore, #tpu.memory_space<semaphore_mem>>) src(%dma_wait3A_147 : memref<6400000xi32, #tpu.memory_space<hbm>>) dst(%dma_wait3A_143 : memref<128xi32, #tpu.memory_space<vmem>>)
    %dma_wait3A_148 = arith.constant 1280 : i32
    %dma_wait3A_149 = tpu.memref_slice %arg12[%dma_wait3A_148] : memref<1664xi32, #tpu.memory_space<vmem>> -> memref<128xi32, #tpu.memory_space<vmem>>
    %dma_wait3A_150 = arith.constant 1280 : i32
    %dma_wait3A_151 = tpu.memref_slice %arg11[%dma_wait3A_150] : memref<1664xi32, #tpu.memory_space<vmem>> -> memref<128xi32, #tpu.memory_space<vmem>>
    %dma_wait3A_152 = arith.constant 0 : i32
    %dma_wait3A_153 = tpu.memref_slice %arg3[%dma_wait3A_152] : memref<6400000xi32, #tpu.memory_space<hbm>> -> memref<6400000xi32, #tpu.memory_space<hbm>>
    tpu.wait_indirect_dma semaphore(%arg17 : memref<!tpu.dma_semaphore, #tpu.memory_space<semaphore_mem>>) src(%dma_wait3A_153 : memref<6400000xi32, #tpu.memory_space<hbm>>) dst(%dma_wait3A_149 : memref<128xi32, #tpu.memory_space<vmem>>)
    %dma_wait3A_154 = arith.constant 1408 : i32
    %dma_wait3A_155 = tpu.memref_slice %arg12[%dma_wait3A_154] : memref<1664xi32, #tpu.memory_space<vmem>> -> memref<128xi32, #tpu.memory_space<vmem>>
    %dma_wait3A_156 = arith.constant 1408 : i32
    %dma_wait3A_157 = tpu.memref_slice %arg11[%dma_wait3A_156] : memref<1664xi32, #tpu.memory_space<vmem>> -> memref<128xi32, #tpu.memory_space<vmem>>
    %dma_wait3A_158 = arith.constant 0 : i32
    %dma_wait3A_159 = tpu.memref_slice %arg3[%dma_wait3A_158] : memref<6400000xi32, #tpu.memory_space<hbm>> -> memref<6400000xi32, #tpu.memory_space<hbm>>
    tpu.wait_indirect_dma semaphore(%arg17 : memref<!tpu.dma_semaphore, #tpu.memory_space<semaphore_mem>>) src(%dma_wait3A_159 : memref<6400000xi32, #tpu.memory_space<hbm>>) dst(%dma_wait3A_155 : memref<128xi32, #tpu.memory_space<vmem>>)
    %dma_wait3A_160 = arith.constant 1536 : i32
    %dma_wait3A_161 = tpu.memref_slice %arg12[%dma_wait3A_160] : memref<1664xi32, #tpu.memory_space<vmem>> -> memref<128xi32, #tpu.memory_space<vmem>>
    %dma_wait3A_162 = arith.constant 1536 : i32
    %dma_wait3A_163 = tpu.memref_slice %arg11[%dma_wait3A_162] : memref<1664xi32, #tpu.memory_space<vmem>> -> memref<128xi32, #tpu.memory_space<vmem>>
    %dma_wait3A_164 = arith.constant 0 : i32
    %dma_wait3A_165 = tpu.memref_slice %arg3[%dma_wait3A_164] : memref<6400000xi32, #tpu.memory_space<hbm>> -> memref<6400000xi32, #tpu.memory_space<hbm>>
    tpu.wait_indirect_dma semaphore(%arg17 : memref<!tpu.dma_semaphore, #tpu.memory_space<semaphore_mem>>) src(%dma_wait3A_165 : memref<6400000xi32, #tpu.memory_space<hbm>>) dst(%dma_wait3A_161 : memref<128xi32, #tpu.memory_space<vmem>>)
    %broadcast_in_dim3A = arith.constant 0 : i32
    %broadcast_in_dim3A_166 = vector.broadcast %broadcast_in_dim3A : i32 to vector<16xi32>
    %scan3A_167 = arith.constant 0 : i32
    %scan3A_168 = arith.constant 96 : i32
    %scan3A_169 = arith.addi %scan3A_167, %scan3A_168 : i32
    %scan3A_170 = arith.constant 8 : i32
    %scan3A_171:2 = scf.for %scan3A_288 = %scan3A_167 to %scan3A_169 step %scan3A_170 iter_args(%scan3A_289 = %broadcast_in_dim3A_166, %scan3A_290 = %broadcast_in_dim3A_166) -> (vector<16xi32>, vector<16xi32>)  : i32 {
      %mul3A_291 = arith.constant 16 : i32
      %mul3A_292 = arith.muli %scan3A_288, %mul3A_291 : i32
      %get3A_293 = arith.index_cast %mul3A_292 : i32 to index
      %get3A_294 = tpu.vector_load %arg12[%get3A_293] {strides = array<i32>} : memref<1664xi32, #tpu.memory_space<vmem>>, vector<16xi32>,
      %broadcast_in_dim3A_295 = arith.constant 1 : i32
      %broadcast_in_dim3A_296 = vector.broadcast %broadcast_in_dim3A_295 : i32 to vector<16xi32>
      %broadcast_in_dim3A_297 = arith.constant 0 : i32
      %broadcast_in_dim3A_298 = vector.broadcast %broadcast_in_dim3A_297 : i32 to vector<16xi32>
      %lt3A_299 = vector.broadcast %mul3A_2 : i32 to vector<16xi32>
      %lt3A_300 = arith.cmpi slt, %get3A_294, %lt3A_299 : vector<16xi32>
      %select_n3A_301 = arith.select %lt3A_300, %broadcast_in_dim3A_296, %broadcast_in_dim3A_298 : vector<16xi1>, vector<16xi32>
      %add3A_302 = arith.addi %scan3A_289, %select_n3A_301 : vector<16xi32>
      %lt3A_303 = vector.broadcast %add3A_4 : i32 to vector<16xi32>
      %lt3A_304 = arith.cmpi slt, %get3A_294, %lt3A_303 : vector<16xi32>
      %select_n3A_305 = arith.select %lt3A_304, %broadcast_in_dim3A_296, %broadcast_in_dim3A_298 : vector<16xi1>, vector<16xi32>
      %add3A_306 = arith.addi %scan3A_290, %select_n3A_305 : vector<16xi32>
      %scan3A_307 = arith.constant 1 : i32
      %scan3A_308 = arith.addi %scan3A_288, %scan3A_307 : i32
      %mul3A_309 = arith.constant 16 : i32
      %mul3A_310 = arith.muli %scan3A_308, %mul3A_309 : i32
      %get3A_311 = arith.index_cast %mul3A_310 : i32 to index
      %get3A_312 = tpu.vector_load %arg12[%get3A_311] {strides = array<i32>} : memref<1664xi32, #tpu.memory_space<vmem>>, vector<16xi32>,
      %broadcast_in_dim3A_313 = arith.constant 1 : i32
      %broadcast_in_dim3A_314 = vector.broadcast %broadcast_in_dim3A_313 : i32 to vector<16xi32>
      %broadcast_in_dim3A_315 = arith.constant 0 : i32
      %broadcast_in_dim3A_316 = vector.broadcast %broadcast_in_dim3A_315 : i32 to vector<16xi32>
      %lt3A_317 = vector.broadcast %mul3A_2 : i32 to vector<16xi32>
      %lt3A_318 = arith.cmpi slt, %get3A_312, %lt3A_317 : vector<16xi32>
      %select_n3A_319 = arith.select %lt3A_318, %broadcast_in_dim3A_314, %broadcast_in_dim3A_316 : vector<16xi1>, vector<16xi32>
      %add3A_320 = arith.addi %add3A_302, %select_n3A_319 : vector<16xi32>
      %lt3A_321 = vector.broadcast %add3A_4 : i32 to vector<16xi32>
      %lt3A_322 = arith.cmpi slt, %get3A_312, %lt3A_321 : vector<16xi32>
      %select_n3A_323 = arith.select %lt3A_322, %broadcast_in_dim3A_314, %broadcast_in_dim3A_316 : vector<16xi1>, vector<16xi32>
      %add3A_324 = arith.addi %add3A_306, %select_n3A_323 : vector<16xi32>
      %scan3A_325 = arith.constant 2 : i32
      %scan3A_326 = arith.addi %scan3A_288, %scan3A_325 : i32
      %mul3A_327 = arith.constant 16 : i32
      %mul3A_328 = arith.muli %scan3A_326, %mul3A_327 : i32
      %get3A_329 = arith.index_cast %mul3A_328 : i32 to index
      %get3A_330 = tpu.vector_load %arg12[%get3A_329] {strides = array<i32>} : memref<1664xi32, #tpu.memory_space<vmem>>, vector<16xi32>,
      %broadcast_in_dim3A_331 = arith.constant 1 : i32
      %broadcast_in_dim3A_332 = vector.broadcast %broadcast_in_dim3A_331 : i32 to vector<16xi32>
      %broadcast_in_dim3A_333 = arith.constant 0 : i32
      %broadcast_in_dim3A_334 = vector.broadcast %broadcast_in_dim3A_333 : i32 to vector<16xi32>
      %lt3A_335 = vector.broadcast %mul3A_2 : i32 to vector<16xi32>
      %lt3A_336 = arith.cmpi slt, %get3A_330, %lt3A_335 : vector<16xi32>
      %select_n3A_337 = arith.select %lt3A_336, %broadcast_in_dim3A_332, %broadcast_in_dim3A_334 : vector<16xi1>, vector<16xi32>
      %add3A_338 = arith.addi %add3A_320, %select_n3A_337 : vector<16xi32>
      %lt3A_339 = vector.broadcast %add3A_4 : i32 to vector<16xi32>
      %lt3A_340 = arith.cmpi slt, %get3A_330, %lt3A_339 : vector<16xi32>
      %select_n3A_341 = arith.select %lt3A_340, %broadcast_in_dim3A_332, %broadcast_in_dim3A_334 : vector<16xi1>, vector<16xi32>
      %add3A_342 = arith.addi %add3A_324, %select_n3A_341 : vector<16xi32>
      %scan3A_343 = arith.constant 3 : i32
      %scan3A_344 = arith.addi %scan3A_288, %scan3A_343 : i32
      %mul3A_345 = arith.constant 16 : i32
      %mul3A_346 = arith.muli %scan3A_344, %mul3A_345 : i32
      %get3A_347 = arith.index_cast %mul3A_346 : i32 to index
      %get3A_348 = tpu.vector_load %arg12[%get3A_347] {strides = array<i32>} : memref<1664xi32, #tpu.memory_space<vmem>>, vector<16xi32>,
      %broadcast_in_dim3A_349 = arith.constant 1 : i32
      %broadcast_in_dim3A_350 = vector.broadcast %broadcast_in_dim3A_349 : i32 to vector<16xi32>
      %broadcast_in_dim3A_351 = arith.constant 0 : i32
      %broadcast_in_dim3A_352 = vector.broadcast %broadcast_in_dim3A_351 : i32 to vector<16xi32>
      %lt3A_353 = vector.broadcast %mul3A_2 : i32 to vector<16xi32>
      %lt3A_354 = arith.cmpi slt, %get3A_348, %lt3A_353 : vector<16xi32>
      %select_n3A_355 = arith.select %lt3A_354, %broadcast_in_dim3A_350, %broadcast_in_dim3A_352 : vector<16xi1>, vector<16xi32>
      %add3A_356 = arith.addi %add3A_338, %select_n3A_355 : vector<16xi32>
      %lt3A_357 = vector.broadcast %add3A_4 : i32 to vector<16xi32>
      %lt3A_358 = arith.cmpi slt, %get3A_348, %lt3A_357 : vector<16xi32>
      %select_n3A_359 = arith.select %lt3A_358, %broadcast_in_dim3A_350, %broadcast_in_dim3A_352 : vector<16xi1>, vector<16xi32>
      %add3A_360 = arith.addi %add3A_342, %select_n3A_359 : vector<16xi32>
      %scan3A_361 = arith.constant 4 : i32
      %scan3A_362 = arith.addi %scan3A_288, %scan3A_361 : i32
      %mul3A_363 = arith.constant 16 : i32
      %mul3A_364 = arith.muli %scan3A_362, %mul3A_363 : i32
      %get3A_365 = arith.index_cast %mul3A_364 : i32 to index
      %get3A_366 = tpu.vector_load %arg12[%get3A_365] {strides = array<i32>} : memref<1664xi32, #tpu.memory_space<vmem>>, vector<16xi32>,
      %broadcast_in_dim3A_367 = arith.constant 1 : i32
      %broadcast_in_dim3A_368 = vector.broadcast %broadcast_in_dim3A_367 : i32 to vector<16xi32>
      %broadcast_in_dim3A_369 = arith.constant 0 : i32
      %broadcast_in_dim3A_370 = vector.broadcast %broadcast_in_dim3A_369 : i32 to vector<16xi32>
      %lt3A_371 = vector.broadcast %mul3A_2 : i32 to vector<16xi32>
      %lt3A_372 = arith.cmpi slt, %get3A_366, %lt3A_371 : vector<16xi32>
      %select_n3A_373 = arith.select %lt3A_372, %broadcast_in_dim3A_368, %broadcast_in_dim3A_370 : vector<16xi1>, vector<16xi32>
      %add3A_374 = arith.addi %add3A_356, %select_n3A_373 : vector<16xi32>
      %lt3A_375 = vector.broadcast %add3A_4 : i32 to vector<16xi32>
      %lt3A_376 = arith.cmpi slt, %get3A_366, %lt3A_375 : vector<16xi32>
      %select_n3A_377 = arith.select %lt3A_376, %broadcast_in_dim3A_368, %broadcast_in_dim3A_370 : vector<16xi1>, vector<16xi32>
      %add3A_378 = arith.addi %add3A_360, %select_n3A_377 : vector<16xi32>
      %scan3A_379 = arith.constant 5 : i32
      %scan3A_380 = arith.addi %scan3A_288, %scan3A_379 : i32
      %mul3A_381 = arith.constant 16 : i32
      %mul3A_382 = arith.muli %scan3A_380, %mul3A_381 : i32
      %get3A_383 = arith.index_cast %mul3A_382 : i32 to index
      %get3A_384 = tpu.vector_load %arg12[%get3A_383] {strides = array<i32>} : memref<1664xi32, #tpu.memory_space<vmem>>, vector<16xi32>,
      %broadcast_in_dim3A_385 = arith.constant 1 : i32
      %broadcast_in_dim3A_386 = vector.broadcast %broadcast_in_dim3A_385 : i32 to vector<16xi32>
      %broadcast_in_dim3A_387 = arith.constant 0 : i32
      %broadcast_in_dim3A_388 = vector.broadcast %broadcast_in_dim3A_387 : i32 to vector<16xi32>
      %lt3A_389 = vector.broadcast %mul3A_2 : i32 to vector<16xi32>
      %lt3A_390 = arith.cmpi slt, %get3A_384, %lt3A_389 : vector<16xi32>
      %select_n3A_391 = arith.select %lt3A_390, %broadcast_in_dim3A_386, %broadcast_in_dim3A_388 : vector<16xi1>, vector<16xi32>
      %add3A_392 = arith.addi %add3A_374, %select_n3A_391 : vector<16xi32>
      %lt3A_393 = vector.broadcast %add3A_4 : i32 to vector<16xi32>
      %lt3A_394 = arith.cmpi slt, %get3A_384, %lt3A_393 : vector<16xi32>
      %select_n3A_395 = arith.select %lt3A_394, %broadcast_in_dim3A_386, %broadcast_in_dim3A_388 : vector<16xi1>, vector<16xi32>
      %add3A_396 = arith.addi %add3A_378, %select_n3A_395 : vector<16xi32>
      %scan3A_397 = arith.constant 6 : i32
      %scan3A_398 = arith.addi %scan3A_288, %scan3A_397 : i32
      %mul3A_399 = arith.constant 16 : i32
      %mul3A_400 = arith.muli %scan3A_398, %mul3A_399 : i32
      %get3A_401 = arith.index_cast %mul3A_400 : i32 to index
      %get3A_402 = tpu.vector_load %arg12[%get3A_401] {strides = array<i32>} : memref<1664xi32, #tpu.memory_space<vmem>>, vector<16xi32>,
      %broadcast_in_dim3A_403 = arith.constant 1 : i32
      %broadcast_in_dim3A_404 = vector.broadcast %broadcast_in_dim3A_403 : i32 to vector<16xi32>
      %broadcast_in_dim3A_405 = arith.constant 0 : i32
      %broadcast_in_dim3A_406 = vector.broadcast %broadcast_in_dim3A_405 : i32 to vector<16xi32>
      %lt3A_407 = vector.broadcast %mul3A_2 : i32 to vector<16xi32>
      %lt3A_408 = arith.cmpi slt, %get3A_402, %lt3A_407 : vector<16xi32>
      %select_n3A_409 = arith.select %lt3A_408, %broadcast_in_dim3A_404, %broadcast_in_dim3A_406 : vector<16xi1>, vector<16xi32>
      %add3A_410 = arith.addi %add3A_392, %select_n3A_409 : vector<16xi32>
      %lt3A_411 = vector.broadcast %add3A_4 : i32 to vector<16xi32>
      %lt3A_412 = arith.cmpi slt, %get3A_402, %lt3A_411 : vector<16xi32>
      %select_n3A_413 = arith.select %lt3A_412, %broadcast_in_dim3A_404, %broadcast_in_dim3A_406 : vector<16xi1>, vector<16xi32>
      %add3A_414 = arith.addi %add3A_396, %select_n3A_413 : vector<16xi32>
      %scan3A_415 = arith.constant 7 : i32
      %scan3A_416 = arith.addi %scan3A_288, %scan3A_415 : i32
      %mul3A_417 = arith.constant 16 : i32
      %mul3A_418 = arith.muli %scan3A_416, %mul3A_417 : i32
      %get3A_419 = arith.index_cast %mul3A_418 : i32 to index
      %get3A_420 = tpu.vector_load %arg12[%get3A_419] {strides = array<i32>} : memref<1664xi32, #tpu.memory_space<vmem>>, vector<16xi32>,
      %broadcast_in_dim3A_421 = arith.constant 1 : i32
      %broadcast_in_dim3A_422 = vector.broadcast %broadcast_in_dim3A_421 : i32 to vector<16xi32>
      %broadcast_in_dim3A_423 = arith.constant 0 : i32
      %broadcast_in_dim3A_424 = vector.broadcast %broadcast_in_dim3A_423 : i32 to vector<16xi32>
      %lt3A_425 = vector.broadcast %mul3A_2 : i32 to vector<16xi32>
      %lt3A_426 = arith.cmpi slt, %get3A_420, %lt3A_425 : vector<16xi32>
      %select_n3A_427 = arith.select %lt3A_426, %broadcast_in_dim3A_422, %broadcast_in_dim3A_424 : vector<16xi1>, vector<16xi32>
      %add3A_428 = arith.addi %add3A_410, %select_n3A_427 : vector<16xi32>
      %lt3A_429 = vector.broadcast %add3A_4 : i32 to vector<16xi32>
      %lt3A_430 = arith.cmpi slt, %get3A_420, %lt3A_429 : vector<16xi32>
      %select_n3A_431 = arith.select %lt3A_430, %broadcast_in_dim3A_422, %broadcast_in_dim3A_424 : vector<16xi1>, vector<16xi32>
      %add3A_432 = arith.addi %add3A_414, %select_n3A_431 : vector<16xi32>
      scf.yield %add3A_428, %add3A_432 : vector<16xi32>, vector<16xi32>
    }
    %scan3A_172 = arith.constant 96 : i32
    %scan3A_173 = arith.addi %scan3A_167, %scan3A_172 : i32
    %mul3A_174 = arith.constant 16 : i32
    %mul3A_175 = arith.muli %scan3A_173, %mul3A_174 : i32
    %get3A = arith.index_cast %mul3A_175 : i32 to index
    %get3A_176 = tpu.vector_load %arg12[%get3A] {strides = array<i32>} : memref<1664xi32, #tpu.memory_space<vmem>>, vector<16xi32>,
    %broadcast_in_dim3A_177 = arith.constant 1 : i32
    %broadcast_in_dim3A_178 = vector.broadcast %broadcast_in_dim3A_177 : i32 to vector<16xi32>
    %broadcast_in_dim3A_179 = arith.constant 0 : i32
    %broadcast_in_dim3A_180 = vector.broadcast %broadcast_in_dim3A_179 : i32 to vector<16xi32>
    %lt3A = vector.broadcast %mul3A_2 : i32 to vector<16xi32>
    %lt3A_181 = arith.cmpi slt, %get3A_176, %lt3A : vector<16xi32>
    %select_n3A = arith.select %lt3A_181, %broadcast_in_dim3A_178, %broadcast_in_dim3A_180 : vector<16xi1>, vector<16xi32>
    %add3A_182 = arith.addi %scan3A_171#0, %select_n3A : vector<16xi32>
    %lt3A_183 = vector.broadcast %add3A_4 : i32 to vector<16xi32>
    %lt3A_184 = arith.cmpi slt, %get3A_176, %lt3A_183 : vector<16xi32>
    %select_n3A_185 = arith.select %lt3A_184, %broadcast_in_dim3A_178, %broadcast_in_dim3A_180 : vector<16xi1>, vector<16xi32>
    %add3A_186 = arith.addi %scan3A_171#1, %select_n3A_185 : vector<16xi32>
    %scan3A_187 = arith.constant 97 : i32
    %scan3A_188 = arith.addi %scan3A_167, %scan3A_187 : i32
    %mul3A_189 = arith.constant 16 : i32
    %mul3A_190 = arith.muli %scan3A_188, %mul3A_189 : i32
    %get3A_191 = arith.index_cast %mul3A_190 : i32 to index
    %get3A_192 = tpu.vector_load %arg12[%get3A_191] {strides = array<i32>} : memref<1664xi32, #tpu.memory_space<vmem>>, vector<16xi32>,
    %broadcast_in_dim3A_193 = arith.constant 1 : i32
    %broadcast_in_dim3A_194 = vector.broadcast %broadcast_in_dim3A_193 : i32 to vector<16xi32>
    %broadcast_in_dim3A_195 = arith.constant 0 : i32
    %broadcast_in_dim3A_196 = vector.broadcast %broadcast_in_dim3A_195 : i32 to vector<16xi32>
    %lt3A_197 = vector.broadcast %mul3A_2 : i32 to vector<16xi32>
    %lt3A_198 = arith.cmpi slt, %get3A_192, %lt3A_197 : vector<16xi32>
    %select_n3A_199 = arith.select %lt3A_198, %broadcast_in_dim3A_194, %broadcast_in_dim3A_196 : vector<16xi1>, vector<16xi32>
    %add3A_200 = arith.addi %add3A_182, %select_n3A_199 : vector<16xi32>
    %lt3A_201 = vector.broadcast %add3A_4 : i32 to vector<16xi32>
    %lt3A_202 = arith.cmpi slt, %get3A_192, %lt3A_201 : vector<16xi32>
    %select_n3A_203 = arith.select %lt3A_202, %broadcast_in_dim3A_194, %broadcast_in_dim3A_196 : vector<16xi1>, vector<16xi32>
    %add3A_204 = arith.addi %add3A_186, %select_n3A_203 : vector<16xi32>
    %scan3A_205 = arith.constant 98 : i32
    %scan3A_206 = arith.addi %scan3A_167, %scan3A_205 : i32
    %mul3A_207 = arith.constant 16 : i32
    %mul3A_208 = arith.muli %scan3A_206, %mul3A_207 : i32
    %get3A_209 = arith.index_cast %mul3A_208 : i32 to index
    %get3A_210 = tpu.vector_load %arg12[%get3A_209] {strides = array<i32>} : memref<1664xi32, #tpu.memory_space<vmem>>, vector<16xi32>,
    %broadcast_in_dim3A_211 = arith.constant 1 : i32
    %broadcast_in_dim3A_212 = vector.broadcast %broadcast_in_dim3A_211 : i32 to vector<16xi32>
    %broadcast_in_dim3A_213 = arith.constant 0 : i32
    %broadcast_in_dim3A_214 = vector.broadcast %broadcast_in_dim3A_213 : i32 to vector<16xi32>
    %lt3A_215 = vector.broadcast %mul3A_2 : i32 to vector<16xi32>
    %lt3A_216 = arith.cmpi slt, %get3A_210, %lt3A_215 : vector<16xi32>
    %select_n3A_217 = arith.select %lt3A_216, %broadcast_in_dim3A_212, %broadcast_in_dim3A_214 : vector<16xi1>, vector<16xi32>
    %add3A_218 = arith.addi %add3A_200, %select_n3A_217 : vector<16xi32>
    %lt3A_219 = vector.broadcast %add3A_4 : i32 to vector<16xi32>
    %lt3A_220 = arith.cmpi slt, %get3A_210, %lt3A_219 : vector<16xi32>
    %select_n3A_221 = arith.select %lt3A_220, %broadcast_in_dim3A_212, %broadcast_in_dim3A_214 : vector<16xi1>, vector<16xi32>
    %add3A_222 = arith.addi %add3A_204, %select_n3A_221 : vector<16xi32>
    %scan3A_223 = arith.constant 99 : i32
    %scan3A_224 = arith.addi %scan3A_167, %scan3A_223 : i32
    %mul3A_225 = arith.constant 16 : i32
    %mul3A_226 = arith.muli %scan3A_224, %mul3A_225 : i32
    %get3A_227 = arith.index_cast %mul3A_226 : i32 to index
    %get3A_228 = tpu.vector_load %arg12[%get3A_227] {strides = array<i32>} : memref<1664xi32, #tpu.memory_space<vmem>>, vector<16xi32>,
    %broadcast_in_dim3A_229 = arith.constant 1 : i32
    %broadcast_in_dim3A_230 = vector.broadcast %broadcast_in_dim3A_229 : i32 to vector<16xi32>
    %broadcast_in_dim3A_231 = arith.constant 0 : i32
    %broadcast_in_dim3A_232 = vector.broadcast %broadcast_in_dim3A_231 : i32 to vector<16xi32>
    %lt3A_233 = vector.broadcast %mul3A_2 : i32 to vector<16xi32>
    %lt3A_234 = arith.cmpi slt, %get3A_228, %lt3A_233 : vector<16xi32>
    %select_n3A_235 = arith.select %lt3A_234, %broadcast_in_dim3A_230, %broadcast_in_dim3A_232 : vector<16xi1>, vector<16xi32>
    %add3A_236 = arith.addi %add3A_218, %select_n3A_235 : vector<16xi32>
    %lt3A_237 = vector.broadcast %add3A_4 : i32 to vector<16xi32>
    %lt3A_238 = arith.cmpi slt, %get3A_228, %lt3A_237 : vector<16xi32>
    %select_n3A_239 = arith.select %lt3A_238, %broadcast_in_dim3A_230, %broadcast_in_dim3A_232 : vector<16xi1>, vector<16xi32>
    %add3A_240 = arith.addi %add3A_222, %select_n3A_239 : vector<16xi32>
    %scan3A_241 = arith.constant 100 : i32
    %reduce_sum3A = arith.constant true
    %reduce_sum3A_242 = vector.broadcast %reduce_sum3A : i1 to vector<16xi1>
    %reduce_sum3A_243 = tpu.scan <sum>, %add3A_236 masked %reduce_sum3A_242 : vector<16xi32>, vector<16xi1> -> vector<16xi32>
    %reduce_sum3A_244 = vector.extract %reduce_sum3A_243[15] : i32 from vector<16xi32>
    %reduce_sum3A_245 = arith.constant true
    %reduce_sum3A_246 = vector.broadcast %reduce_sum3A_245 : i1 to vector<16xi1>
    %reduce_sum3A_247 = tpu.scan <sum>, %add3A_240 masked %reduce_sum3A_246 : vector<16xi32>, vector<16xi1> -> vector<16xi32>
    %reduce_sum3A_248 = vector.extract %reduce_sum3A_247[15] : i32 from vector<16xi32>
    %sub3A = arith.constant 1 : i32
    %sub3A_249 = arith.subi %reduce_sum3A_244, %sub3A : i32
    %max3A = arith.constant 0 : i32
    %max3A_250 = arith.maxsi %sub3A_249, %max3A : i32
    %broadcast_in_dim3A_251 = arith.constant 0 : i32
    %broadcast_in_dim3A_252 = vector.broadcast %broadcast_in_dim3A_251 : i32 to vector<16xi32>
    %swap3A = arith.constant 4000 : index
    %swap3A_253 = tpu.vector_load %arg9[%swap3A] {strides = array<i32>} : memref<4016xi32, #tpu.memory_space<vmem>>, vector<16xi32>,
    tpu.vector_store %arg9[%swap3A], %broadcast_in_dim3A_252 {strides = array<i32>} : memref<4016xi32, #tpu.memory_space<vmem>>, vector<16xi32>,
    %swap3A_254 = arith.constant 4000 : index
    %swap3A_255 = tpu.vector_load %arg10[%swap3A_254] {strides = array<i32>} : memref<4016xi32, #tpu.memory_space<vmem>>, vector<16xi32>,
    tpu.vector_store %arg10[%swap3A_254], %broadcast_in_dim3A_252 {strides = array<i32>} : memref<4016xi32, #tpu.memory_space<vmem>>, vector<16xi32>,
    %lt3A_256 = arith.cmpi slt, %max3A_250, %reduce_sum3A_248 : i32
    %convert_element_type3A = arith.extui %lt3A_256 : i1 to i32
    %cond3A = arith.constant 0 : i32
    %cond3A_257 = arith.cmpi ne, %convert_element_type3A, %cond3A : i32
    scf.if %cond3A_257 {
      %mul3A_288 = arith.constant 4000 : i32
      %mul3A_289 = arith.muli %max3A_250, %mul3A_288 : i32
      %dma_start3A_290 = tpu.memref_slice %arg2[%mul3A_289] : memref<6400000xf32, #tpu.memory_space<hbm>> -> memref<4000xf32, #tpu.memory_space<hbm>>
      %dma_start3A_291 = tpu.memref_slice %arg2[%mul3A_289] : memref<6400000xf32, #tpu.memory_space<hbm>> -> memref<4000xf32, #tpu.memory_space<hbm>>
      tpu.enqueue_dma source(%dma_start3A_291 : memref<4000xf32, #tpu.memory_space<hbm>>) target(%arg7 : memref<4000xf32, #tpu.memory_space<vmem>>) target_semaphore(%arg13 : memref<!tpu.dma_semaphore, #tpu.memory_space<semaphore_mem>>)
      %dma_start3A_292 = arith.constant 0 : i32
      %dma_start3A_293 = tpu.memref_slice %arg9[%dma_start3A_292] : memref<4016xi32, #tpu.memory_space<vmem>> -> memref<4000xi32, #tpu.memory_space<vmem>>
      %dma_start3A_294 = tpu.memref_slice %arg3[%mul3A_289] : memref<6400000xi32, #tpu.memory_space<hbm>> -> memref<4000xi32, #tpu.memory_space<hbm>>
      %dma_start3A_295 = arith.constant 0 : i32
      %dma_start3A_296 = tpu.memref_slice %arg9[%dma_start3A_295] : memref<4016xi32, #tpu.memory_space<vmem>> -> memref<4000xi32, #tpu.memory_space<vmem>>
      %dma_start3A_297 = tpu.memref_slice %arg3[%mul3A_289] : memref<6400000xi32, #tpu.memory_space<hbm>> -> memref<4000xi32, #tpu.memory_space<hbm>>
      tpu.enqueue_dma source(%dma_start3A_297 : memref<4000xi32, #tpu.memory_space<hbm>>) target(%dma_start3A_296 : memref<4000xi32, #tpu.memory_space<vmem>>) target_semaphore(%arg15 : memref<!tpu.dma_semaphore, #tpu.memory_space<semaphore_mem>>)
    } else {
    }
    %sub3A_258 = arith.subi %reduce_sum3A_248, %max3A_250 : i32
    %add3A_259 = arith.constant 1 : i32
    %add3A_260 = arith.addi %sub3A_258, %add3A_259 : i32
    %jit3A = arith.constant 2 : i32
    %div3A = arith.divsi %add3A_260, %jit3A : i32
    %sign3A = arith.constant 0 : i32
    %sign3A_261 = arith.cmpi sgt, %add3A_260, %sign3A : i32
    %sign3A_262 = arith.extui %sign3A_261 : i1 to i32
    %sign3A_263 = arith.constant 0 : i32
    %sign3A_264 = arith.cmpi slt, %add3A_260, %sign3A_263 : i32
    %sign3A_265 = arith.extui %sign3A_264 : i1 to i32
    %sign3A_266 = arith.subi %sign3A_262, %sign3A_265 : i32
    %sign3A_267 = arith.constant 0 : i32
    %sign3A_268 = arith.cmpi sgt, %jit3A, %sign3A_267 : i32
    %sign3A_269 = arith.extui %sign3A_268 : i1 to i32
    %sign3A_270 = arith.constant 0 : i32
    %sign3A_271 = arith.cmpi slt, %jit3A, %sign3A_270 : i32
    %sign3A_272 = arith.extui %sign3A_271 : i1 to i32
    %sign3A_273 = arith.subi %sign3A_269, %sign3A_272 : i32
    %ne3A = arith.cmpi ne, %sign3A_266, %sign3A_273 : i32
    %rem3A = arith.remsi %add3A_260, %jit3A : i32
    %ne3A_274 = arith.constant 0 : i32
    %ne3A_275 = arith.cmpi ne, %rem3A, %ne3A_274 : i32
    %and3A = arith.andi %ne3A, %ne3A_275 : i1
    %sub3A_276 = arith.constant 1 : i32
    %sub3A_277 = arith.subi %div3A, %sub3A_276 : i32
    %select_n3A_278 = arith.select %and3A, %sub3A_277, %div3A : i32
    %while3A = arith.constant 0 : i32
    %while3A_279 = arith.constant 0 : i32
    %while3A_280 = arith.subi %select_n3A_278, %while3A_279 : i32
    %while3A_281 = arith.addi %while3A_279, %while3A_280 : i32
    %while3A_282 = arith.constant 1 : i32
    %while3A_283 = arith.divsi %while3A_280, %while3A_282 : i32
    %while3A_284 = arith.muli %while3A_283, %while3A_282 : i32
    %while3A_285 = arith.addi %while3A_279, %while3A_284 : i32
    %while3A_286 = arith.constant 1 : i32
    scf.for %while3A_288 = %while3A_279 to %while3A_285 step %while3A_286  : i32 {
      %mul3A_289 = arith.constant 2 : i32
      %mul3A_290 = arith.muli %while3A_288, %mul3A_289 : i32
      %add3A_291 = arith.addi %max3A_250, %mul3A_290 : i32
      %add3A_292 = arith.constant 1 : i32
      %add3A_293 = arith.addi %add3A_291, %add3A_292 : i32
      %lt3A_294 = arith.cmpi slt, %add3A_293, %reduce_sum3A_248 : i32
      %convert_element_type3A_295 = arith.extui %lt3A_294 : i1 to i32
      %cond3A_296 = arith.constant 0 : i32
      %cond3A_297 = arith.cmpi ne, %convert_element_type3A_295, %cond3A_296 : i32
      scf.if %cond3A_297 {
        %add3A_322 = arith.constant 1 : i32
        %add3A_323 = arith.addi %add3A_291, %add3A_322 : i32
        %mul3A_324 = arith.constant 4000 : i32
        %mul3A_325 = arith.muli %add3A_323, %mul3A_324 : i32
        %dma_start3A_326 = tpu.memref_slice %arg2[%mul3A_325] : memref<6400000xf32, #tpu.memory_space<hbm>> -> memref<4000xf32, #tpu.memory_space<hbm>>
        %dma_start3A_327 = tpu.memref_slice %arg2[%mul3A_325] : memref<6400000xf32, #tpu.memory_space<hbm>> -> memref<4000xf32, #tpu.memory_space<hbm>>
        tpu.enqueue_dma source(%dma_start3A_327 : memref<4000xf32, #tpu.memory_space<hbm>>) target(%arg8 : memref<4000xf32, #tpu.memory_space<vmem>>) target_semaphore(%arg14 : memref<!tpu.dma_semaphore, #tpu.memory_space<semaphore_mem>>)
        %dma_start3A_328 = arith.constant 0 : i32
        %dma_start3A_329 = tpu.memref_slice %arg10[%dma_start3A_328] : memref<4016xi32, #tpu.memory_space<vmem>> -> memref<4000xi32, #tpu.memory_space<vmem>>
        %dma_start3A_330 = tpu.memref_slice %arg3[%mul3A_325] : memref<6400000xi32, #tpu.memory_space<hbm>> -> memref<4000xi32, #tpu.memory_space<hbm>>
        %dma_start3A_331 = arith.constant 0 : i32
        %dma_start3A_332 = tpu.memref_slice %arg10[%dma_start3A_331] : memref<4016xi32, #tpu.memory_space<vmem>> -> memref<4000xi32, #tpu.memory_space<vmem>>
        %dma_start3A_333 = tpu.memref_slice %arg3[%mul3A_325] : memref<6400000xi32, #tpu.memory_space<hbm>> -> memref<4000xi32, #tpu.memory_space<hbm>>
        tpu.enqueue_dma source(%dma_start3A_333 : memref<4000xi32, #tpu.memory_space<hbm>>) target(%dma_start3A_332 : memref<4000xi32, #tpu.memory_space<vmem>>) target_semaphore(%arg16 : memref<!tpu.dma_semaphore, #tpu.memory_space<semaphore_mem>>)
      } else {
      }
      %mul3A_298 = arith.constant 4000 : i32
      %mul3A_299 = arith.muli %add3A_291, %mul3A_298 : i32
      %dma_wait3A_300 = tpu.memref_slice %arg2[%mul3A_299] : memref<6400000xf32, #tpu.memory_space<hbm>> -> memref<4000xf32, #tpu.memory_space<hbm>>
      %dma_wait3A_301 = tpu.memref_slice %arg2[%mul3A_299] : memref<6400000xf32, #tpu.memory_space<hbm>> -> memref<4000xf32, #tpu.memory_space<hbm>>
      tpu.wait_dma2 semaphore(%arg13 : memref<!tpu.dma_semaphore, #tpu.memory_space<semaphore_mem>>) src(%dma_wait3A_301 : memref<4000xf32, #tpu.memory_space<hbm>>) dst(%arg7 : memref<4000xf32, #tpu.memory_space<vmem>>)
      %dma_wait3A_302 = arith.constant 0 : i32
      %dma_wait3A_303 = tpu.memref_slice %arg9[%dma_wait3A_302] : memref<4016xi32, #tpu.memory_space<vmem>> -> memref<4000xi32, #tpu.memory_space<vmem>>
      %dma_wait3A_304 = tpu.memref_slice %arg3[%mul3A_299] : memref<6400000xi32, #tpu.memory_space<hbm>> -> memref<4000xi32, #tpu.memory_space<hbm>>
      %dma_wait3A_305 = arith.constant 0 : i32
      %dma_wait3A_306 = tpu.memref_slice %arg9[%dma_wait3A_305] : memref<4016xi32, #tpu.memory_space<vmem>> -> memref<4000xi32, #tpu.memory_space<vmem>>
      %dma_wait3A_307 = tpu.memref_slice %arg3[%mul3A_299] : memref<6400000xi32, #tpu.memory_space<hbm>> -> memref<4000xi32, #tpu.memory_space<hbm>>
      tpu.wait_dma2 semaphore(%arg15 : memref<!tpu.dma_semaphore, #tpu.memory_space<semaphore_mem>>) src(%dma_wait3A_307 : memref<4000xi32, #tpu.memory_space<hbm>>) dst(%dma_wait3A_306 : memref<4000xi32, #tpu.memory_space<vmem>>)
      %parallel_loop3A = arith.constant 0 : i32
      %parallel_loop3A_308 = arith.constant 250 : i32
      %parallel_loop3A_309 = arith.constant 1 : i32
      scf.for %parallel_loop3A_322 = %parallel_loop3A to %parallel_loop3A_308 step %parallel_loop3A_309  : i32 {
        %parallel_loop3A_323 = arith.constant 16 : i32
        %parallel_loop3A_324 = arith.muli %parallel_loop3A_322, %parallel_loop3A_323 : i32
        %parallel_loop3A_325 = arith.index_cast %parallel_loop3A_324 : i32 to index
        %parallel_loop3A_326 = tpu.vector_load %arg9[%parallel_loop3A_325] {strides = array<i32>} : memref<4016xi32, #tpu.memory_space<vmem>>, vector<16xi32>,
        %parallel_loop3A_327 = arith.constant 16 : i32
        %parallel_loop3A_328 = arith.muli %parallel_loop3A_322, %parallel_loop3A_327 : i32
        %parallel_loop3A_329 = arith.constant 1 : i32
        %parallel_loop3A_330 = arith.addi %parallel_loop3A_328, %parallel_loop3A_329 : i32
        %parallel_loop3A_331 = arith.index_cast %parallel_loop3A_330 : i32 to index
        %parallel_loop3A_332 = tpu.vector_load %arg9[%parallel_loop3A_331] {strides = array<i32>} : memref<4016xi32, #tpu.memory_space<vmem>>, vector<16xi32>,
        %parallel_loop3A_333 = arith.constant 16 : i32
        %parallel_loop3A_334 = arith.muli %parallel_loop3A_322, %parallel_loop3A_333 : i32
        %parallel_loop3A_335 = arith.index_cast %parallel_loop3A_334 : i32 to index
        %parallel_loop3A_336 = tpu.vector_load %arg7[%parallel_loop3A_335] {strides = array<i32>} : memref<4000xf32, #tpu.memory_space<vmem>>, vector<16xf32>,
        %parallel_loop3A_337 = arith.constant true
        %parallel_loop3A_338 = vector.broadcast %parallel_loop3A_337 : i1 to vector<16xi1>
        %parallel_loop3A_339 = tpu.scan <sum>, %parallel_loop3A_336 masked %parallel_loop3A_338 : vector<16xf32>, vector<16xi1> -> vector<16xf32>
        %parallel_loop3A_340 = arith.cmpi ne, %parallel_loop3A_326, %parallel_loop3A_332 : vector<16xi32>
        %parallel_loop3A_341 = vector.broadcast %mul3A_2 : i32 to vector<16xi32>
        %parallel_loop3A_342 = arith.subi %parallel_loop3A_326, %parallel_loop3A_341 : vector<16xi32>
        %parallel_loop3A_343 = vector.broadcast %mul3A_2 : i32 to vector<16xi32>
        %parallel_loop3A_344 = arith.subi %parallel_loop3A_332, %parallel_loop3A_343 : vector<16xi32>
        %parallel_loop3A_345 = vector.bitcast %parallel_loop3A_342 : vector<16xi32> to vector<16xi32>
        %parallel_loop3A_346 = arith.constant 3136 : i32
        %parallel_loop3A_347 = vector.broadcast %parallel_loop3A_346 : i32 to vector<16xi32>
        %parallel_loop3A_348 = arith.cmpi ult, %parallel_loop3A_345, %parallel_loop3A_347 : vector<16xi32>
        %parallel_loop3A_349 = vector.bitcast %parallel_loop3A_344 : vector<16xi32> to vector<16xi32>
        %parallel_loop3A_350 = arith.constant 3136 : i32
        %parallel_loop3A_351 = vector.broadcast %parallel_loop3A_350 : i32 to vector<16xi32>
        %parallel_loop3A_352 = arith.cmpi ult, %parallel_loop3A_349, %parallel_loop3A_351 : vector<16xi32>
        %parallel_loop3A_353 = arith.ori %parallel_loop3A_340, %eq3A_6 : vector<16xi1>
        %parallel_loop3A_354 = arith.andi %parallel_loop3A_353, %parallel_loop3A_348 : vector<16xi1>
        %parallel_loop3A_355 = arith.constant dense<true> : vector<16xi1>
        %parallel_loop3A_356 = arith.xori %eq3A_6, %parallel_loop3A_355 : vector<16xi1>
        %parallel_loop3A_357 = arith.andi %parallel_loop3A_340, %parallel_loop3A_356 : vector<16xi1>
        %parallel_loop3A_358 = arith.andi %parallel_loop3A_357, %parallel_loop3A_352 : vector<16xi1>
        tpu.vector_store_idx %arg6[%parallel_loop3A_342], %parallel_loop3A_339 masked %parallel_loop3A_354 {add = true} : memref<3136xf32, #tpu.memory_space<vmem>>[vector<16xi32>], vector<16xf32>, vector<16xi1>
        %parallel_loop3A_359 = arith.constant 0.000000e+00 : f32
        %parallel_loop3A_360 = vector.broadcast %parallel_loop3A_359 : f32 to vector<16xf32>
        %parallel_loop3A_361 = arith.subf %parallel_loop3A_360, %parallel_loop3A_339 : vector<16xf32>
        tpu.vector_store_idx %arg6[%parallel_loop3A_344], %parallel_loop3A_361 masked %parallel_loop3A_358 {add = true} : memref<3136xf32, #tpu.memory_space<vmem>>[vector<16xi32>], vector<16xf32>, vector<16xi1>
      } {sc.loop_unroll_factor = 4 : i64, sc.parallel_access}
      %add3A_310 = arith.constant 2 : i32
      %add3A_311 = arith.addi %add3A_291, %add3A_310 : i32
      %lt3A_312 = arith.cmpi slt, %add3A_311, %reduce_sum3A_248 : i32
      %convert_element_type3A_313 = arith.extui %lt3A_312 : i1 to i32
      %cond3A_314 = arith.constant 0 : i32
      %cond3A_315 = arith.cmpi ne, %convert_element_type3A_313, %cond3A_314 : i32
      scf.if %cond3A_315 {
        %add3A_322 = arith.constant 2 : i32
        %add3A_323 = arith.addi %add3A_291, %add3A_322 : i32
        %mul3A_324 = arith.constant 4000 : i32
        %mul3A_325 = arith.muli %add3A_323, %mul3A_324 : i32
        %dma_start3A_326 = tpu.memref_slice %arg2[%mul3A_325] : memref<6400000xf32, #tpu.memory_space<hbm>> -> memref<4000xf32, #tpu.memory_space<hbm>>
        %dma_start3A_327 = tpu.memref_slice %arg2[%mul3A_325] : memref<6400000xf32, #tpu.memory_space<hbm>> -> memref<4000xf32, #tpu.memory_space<hbm>>
        tpu.enqueue_dma source(%dma_start3A_327 : memref<4000xf32, #tpu.memory_space<hbm>>) target(%arg7 : memref<4000xf32, #tpu.memory_space<vmem>>) target_semaphore(%arg13 : memref<!tpu.dma_semaphore, #tpu.memory_space<semaphore_mem>>)
        %dma_start3A_328 = arith.constant 0 : i32
        %dma_start3A_329 = tpu.memref_slice %arg9[%dma_start3A_328] : memref<4016xi32, #tpu.memory_space<vmem>> -> memref<4000xi32, #tpu.memory_space<vmem>>
        %dma_start3A_330 = tpu.memref_slice %arg3[%mul3A_325] : memref<6400000xi32, #tpu.memory_space<hbm>> -> memref<4000xi32, #tpu.memory_space<hbm>>
        %dma_start3A_331 = arith.constant 0 : i32
        %dma_start3A_332 = tpu.memref_slice %arg9[%dma_start3A_331] : memref<4016xi32, #tpu.memory_space<vmem>> -> memref<4000xi32, #tpu.memory_space<vmem>>
        %dma_start3A_333 = tpu.memref_slice %arg3[%mul3A_325] : memref<6400000xi32, #tpu.memory_space<hbm>> -> memref<4000xi32, #tpu.memory_space<hbm>>
        tpu.enqueue_dma source(%dma_start3A_333 : memref<4000xi32, #tpu.memory_space<hbm>>) target(%dma_start3A_332 : memref<4000xi32, #tpu.memory_space<vmem>>) target_semaphore(%arg15 : memref<!tpu.dma_semaphore, #tpu.memory_space<semaphore_mem>>)
      } else {
      }
      %add3A_316 = arith.constant 1 : i32
      %add3A_317 = arith.addi %add3A_291, %add3A_316 : i32
      %lt3A_318 = arith.cmpi slt, %add3A_317, %reduce_sum3A_248 : i32
      %convert_element_type3A_319 = arith.extui %lt3A_318 : i1 to i32
      %cond3A_320 = arith.constant 0 : i32
      %cond3A_321 = arith.cmpi ne, %convert_element_type3A_319, %cond3A_320 : i32
      scf.if %cond3A_321 {
        %add3A_322 = arith.constant 1 : i32
        %add3A_323 = arith.addi %add3A_291, %add3A_322 : i32
        %mul3A_324 = arith.constant 4000 : i32
        %mul3A_325 = arith.muli %add3A_323, %mul3A_324 : i32
        %dma_wait3A_326 = tpu.memref_slice %arg2[%mul3A_325] : memref<6400000xf32, #tpu.memory_space<hbm>> -> memref<4000xf32, #tpu.memory_space<hbm>>
        %dma_wait3A_327 = tpu.memref_slice %arg2[%mul3A_325] : memref<6400000xf32, #tpu.memory_space<hbm>> -> memref<4000xf32, #tpu.memory_space<hbm>>
        tpu.wait_dma2 semaphore(%arg14 : memref<!tpu.dma_semaphore, #tpu.memory_space<semaphore_mem>>) src(%dma_wait3A_327 : memref<4000xf32, #tpu.memory_space<hbm>>) dst(%arg8 : memref<4000xf32, #tpu.memory_space<vmem>>)
        %dma_wait3A_328 = arith.constant 0 : i32
        %dma_wait3A_329 = tpu.memref_slice %arg10[%dma_wait3A_328] : memref<4016xi32, #tpu.memory_space<vmem>> -> memref<4000xi32, #tpu.memory_space<vmem>>
        %dma_wait3A_330 = tpu.memref_slice %arg3[%mul3A_325] : memref<6400000xi32, #tpu.memory_space<hbm>> -> memref<4000xi32, #tpu.memory_space<hbm>>
        %dma_wait3A_331 = arith.constant 0 : i32
        %dma_wait3A_332 = tpu.memref_slice %arg10[%dma_wait3A_331] : memref<4016xi32, #tpu.memory_space<vmem>> -> memref<4000xi32, #tpu.memory_space<vmem>>
        %dma_wait3A_333 = tpu.memref_slice %arg3[%mul3A_325] : memref<6400000xi32, #tpu.memory_space<hbm>> -> memref<4000xi32, #tpu.memory_space<hbm>>
        tpu.wait_dma2 semaphore(%arg16 : memref<!tpu.dma_semaphore, #tpu.memory_space<semaphore_mem>>) src(%dma_wait3A_333 : memref<4000xi32, #tpu.memory_space<hbm>>) dst(%dma_wait3A_332 : memref<4000xi32, #tpu.memory_space<vmem>>)
        %parallel_loop3A_334 = arith.constant 0 : i32
        %parallel_loop3A_335 = arith.constant 250 : i32
        %parallel_loop3A_336 = arith.constant 1 : i32
        scf.for %parallel_loop3A_337 = %parallel_loop3A_334 to %parallel_loop3A_335 step %parallel_loop3A_336  : i32 {
          %parallel_loop3A_338 = arith.constant 16 : i32
          %parallel_loop3A_339 = arith.muli %parallel_loop3A_337, %parallel_loop3A_338 : i32
          %parallel_loop3A_340 = arith.index_cast %parallel_loop3A_339 : i32 to index
          %parallel_loop3A_341 = tpu.vector_load %arg10[%parallel_loop3A_340] {strides = array<i32>} : memref<4016xi32, #tpu.memory_space<vmem>>, vector<16xi32>,
          %parallel_loop3A_342 = arith.constant 16 : i32
          %parallel_loop3A_343 = arith.muli %parallel_loop3A_337, %parallel_loop3A_342 : i32
          %parallel_loop3A_344 = arith.constant 1 : i32
          %parallel_loop3A_345 = arith.addi %parallel_loop3A_343, %parallel_loop3A_344 : i32
          %parallel_loop3A_346 = arith.index_cast %parallel_loop3A_345 : i32 to index
          %parallel_loop3A_347 = tpu.vector_load %arg10[%parallel_loop3A_346] {strides = array<i32>} : memref<4016xi32, #tpu.memory_space<vmem>>, vector<16xi32>,
          %parallel_loop3A_348 = arith.constant 16 : i32
          %parallel_loop3A_349 = arith.muli %parallel_loop3A_337, %parallel_loop3A_348 : i32
          %parallel_loop3A_350 = arith.index_cast %parallel_loop3A_349 : i32 to index
          %parallel_loop3A_351 = tpu.vector_load %arg8[%parallel_loop3A_350] {strides = array<i32>} : memref<4000xf32, #tpu.memory_space<vmem>>, vector<16xf32>,
          %parallel_loop3A_352 = arith.constant true
          %parallel_loop3A_353 = vector.broadcast %parallel_loop3A_352 : i1 to vector<16xi1>
          %parallel_loop3A_354 = tpu.scan <sum>, %parallel_loop3A_351 masked %parallel_loop3A_353 : vector<16xf32>, vector<16xi1> -> vector<16xf32>
          %parallel_loop3A_355 = arith.cmpi ne, %parallel_loop3A_341, %parallel_loop3A_347 : vector<16xi32>
          %parallel_loop3A_356 = vector.broadcast %mul3A_2 : i32 to vector<16xi32>
          %parallel_loop3A_357 = arith.subi %parallel_loop3A_341, %parallel_loop3A_356 : vector<16xi32>
          %parallel_loop3A_358 = vector.broadcast %mul3A_2 : i32 to vector<16xi32>
          %parallel_loop3A_359 = arith.subi %parallel_loop3A_347, %parallel_loop3A_358 : vector<16xi32>
          %parallel_loop3A_360 = vector.bitcast %parallel_loop3A_357 : vector<16xi32> to vector<16xi32>
          %parallel_loop3A_361 = arith.constant 3136 : i32
          %parallel_loop3A_362 = vector.broadcast %parallel_loop3A_361 : i32 to vector<16xi32>
          %parallel_loop3A_363 = arith.cmpi ult, %parallel_loop3A_360, %parallel_loop3A_362 : vector<16xi32>
          %parallel_loop3A_364 = vector.bitcast %parallel_loop3A_359 : vector<16xi32> to vector<16xi32>
          %parallel_loop3A_365 = arith.constant 3136 : i32
          %parallel_loop3A_366 = vector.broadcast %parallel_loop3A_365 : i32 to vector<16xi32>
          %parallel_loop3A_367 = arith.cmpi ult, %parallel_loop3A_364, %parallel_loop3A_366 : vector<16xi32>
          %parallel_loop3A_368 = arith.ori %parallel_loop3A_355, %eq3A_6 : vector<16xi1>
          %parallel_loop3A_369 = arith.andi %parallel_loop3A_368, %parallel_loop3A_363 : vector<16xi1>
          %parallel_loop3A_370 = arith.constant dense<true> : vector<16xi1>
          %parallel_loop3A_371 = arith.xori %eq3A_6, %parallel_loop3A_370 : vector<16xi1>
          %parallel_loop3A_372 = arith.andi %parallel_loop3A_355, %parallel_loop3A_371 : vector<16xi1>
          %parallel_loop3A_373 = arith.andi %parallel_loop3A_372, %parallel_loop3A_367 : vector<16xi1>
          tpu.vector_store_idx %arg6[%parallel_loop3A_357], %parallel_loop3A_354 masked %parallel_loop3A_369 {add = true} : memref<3136xf32, #tpu.memory_space<vmem>>[vector<16xi32>], vector<16xf32>, vector<16xi1>
          %parallel_loop3A_374 = arith.constant 0.000000e+00 : f32
          %parallel_loop3A_375 = vector.broadcast %parallel_loop3A_374 : f32 to vector<16xf32>
          %parallel_loop3A_376 = arith.subf %parallel_loop3A_375, %parallel_loop3A_354 : vector<16xf32>
          tpu.vector_store_idx %arg6[%parallel_loop3A_359], %parallel_loop3A_376 masked %parallel_loop3A_373 {add = true} : memref<3136xf32, #tpu.memory_space<vmem>>[vector<16xi32>], vector<16xf32>, vector<16xi1>
        } {sc.loop_unroll_factor = 4 : i64, sc.parallel_access}
      } else {
      }
    }
    %while3A_287 = arith.constant 1 : i32
    scf.for %while3A_288 = %while3A_285 to %while3A_281 step %while3A_287  : i32 {
      %mul3A_289 = arith.constant 2 : i32
      %mul3A_290 = arith.muli %while3A_288, %mul3A_289 : i32
      %add3A_291 = arith.addi %max3A_250, %mul3A_290 : i32
      %add3A_292 = arith.constant 1 : i32
      %add3A_293 = arith.addi %add3A_291, %add3A_292 : i32
      %lt3A_294 = arith.cmpi slt, %add3A_293, %reduce_sum3A_248 : i32
      %convert_element_type3A_295 = arith.extui %lt3A_294 : i1 to i32
      %cond3A_296 = arith.constant 0 : i32
      %cond3A_297 = arith.cmpi ne, %convert_element_type3A_295, %cond3A_296 : i32
      scf.if %cond3A_297 {
        %add3A_322 = arith.constant 1 : i32
        %add3A_323 = arith.addi %add3A_291, %add3A_322 : i32
        %mul3A_324 = arith.constant 4000 : i32
        %mul3A_325 = arith.muli %add3A_323, %mul3A_324 : i32
        %dma_start3A_326 = tpu.memref_slice %arg2[%mul3A_325] : memref<6400000xf32, #tpu.memory_space<hbm>> -> memref<4000xf32, #tpu.memory_space<hbm>>
        %dma_start3A_327 = tpu.memref_slice %arg2[%mul3A_325] : memref<6400000xf32, #tpu.memory_space<hbm>> -> memref<4000xf32, #tpu.memory_space<hbm>>
        tpu.enqueue_dma source(%dma_start3A_327 : memref<4000xf32, #tpu.memory_space<hbm>>) target(%arg8 : memref<4000xf32, #tpu.memory_space<vmem>>) target_semaphore(%arg14 : memref<!tpu.dma_semaphore, #tpu.memory_space<semaphore_mem>>)
        %dma_start3A_328 = arith.constant 0 : i32
        %dma_start3A_329 = tpu.memref_slice %arg10[%dma_start3A_328] : memref<4016xi32, #tpu.memory_space<vmem>> -> memref<4000xi32, #tpu.memory_space<vmem>>
        %dma_start3A_330 = tpu.memref_slice %arg3[%mul3A_325] : memref<6400000xi32, #tpu.memory_space<hbm>> -> memref<4000xi32, #tpu.memory_space<hbm>>
        %dma_start3A_331 = arith.constant 0 : i32
        %dma_start3A_332 = tpu.memref_slice %arg10[%dma_start3A_331] : memref<4016xi32, #tpu.memory_space<vmem>> -> memref<4000xi32, #tpu.memory_space<vmem>>
        %dma_start3A_333 = tpu.memref_slice %arg3[%mul3A_325] : memref<6400000xi32, #tpu.memory_space<hbm>> -> memref<4000xi32, #tpu.memory_space<hbm>>
        tpu.enqueue_dma source(%dma_start3A_333 : memref<4000xi32, #tpu.memory_space<hbm>>) target(%dma_start3A_332 : memref<4000xi32, #tpu.memory_space<vmem>>) target_semaphore(%arg16 : memref<!tpu.dma_semaphore, #tpu.memory_space<semaphore_mem>>)
      } else {
      }
      %mul3A_298 = arith.constant 4000 : i32
      %mul3A_299 = arith.muli %add3A_291, %mul3A_298 : i32
      %dma_wait3A_300 = tpu.memref_slice %arg2[%mul3A_299] : memref<6400000xf32, #tpu.memory_space<hbm>> -> memref<4000xf32, #tpu.memory_space<hbm>>
      %dma_wait3A_301 = tpu.memref_slice %arg2[%mul3A_299] : memref<6400000xf32, #tpu.memory_space<hbm>> -> memref<4000xf32, #tpu.memory_space<hbm>>
      tpu.wait_dma2 semaphore(%arg13 : memref<!tpu.dma_semaphore, #tpu.memory_space<semaphore_mem>>) src(%dma_wait3A_301 : memref<4000xf32, #tpu.memory_space<hbm>>) dst(%arg7 : memref<4000xf32, #tpu.memory_space<vmem>>)
      %dma_wait3A_302 = arith.constant 0 : i32
      %dma_wait3A_303 = tpu.memref_slice %arg9[%dma_wait3A_302] : memref<4016xi32, #tpu.memory_space<vmem>> -> memref<4000xi32, #tpu.memory_space<vmem>>
      %dma_wait3A_304 = tpu.memref_slice %arg3[%mul3A_299] : memref<6400000xi32, #tpu.memory_space<hbm>> -> memref<4000xi32, #tpu.memory_space<hbm>>
      %dma_wait3A_305 = arith.constant 0 : i32
      %dma_wait3A_306 = tpu.memref_slice %arg9[%dma_wait3A_305] : memref<4016xi32, #tpu.memory_space<vmem>> -> memref<4000xi32, #tpu.memory_space<vmem>>
      %dma_wait3A_307 = tpu.memref_slice %arg3[%mul3A_299] : memref<6400000xi32, #tpu.memory_space<hbm>> -> memref<4000xi32, #tpu.memory_space<hbm>>
      tpu.wait_dma2 semaphore(%arg15 : memref<!tpu.dma_semaphore, #tpu.memory_space<semaphore_mem>>) src(%dma_wait3A_307 : memref<4000xi32, #tpu.memory_space<hbm>>) dst(%dma_wait3A_306 : memref<4000xi32, #tpu.memory_space<vmem>>)
      %parallel_loop3A = arith.constant 0 : i32
      %parallel_loop3A_308 = arith.constant 250 : i32
      %parallel_loop3A_309 = arith.constant 1 : i32
      scf.for %parallel_loop3A_322 = %parallel_loop3A to %parallel_loop3A_308 step %parallel_loop3A_309  : i32 {
        %parallel_loop3A_323 = arith.constant 16 : i32
        %parallel_loop3A_324 = arith.muli %parallel_loop3A_322, %parallel_loop3A_323 : i32
        %parallel_loop3A_325 = arith.index_cast %parallel_loop3A_324 : i32 to index
        %parallel_loop3A_326 = tpu.vector_load %arg9[%parallel_loop3A_325] {strides = array<i32>} : memref<4016xi32, #tpu.memory_space<vmem>>, vector<16xi32>,
        %parallel_loop3A_327 = arith.constant 16 : i32
        %parallel_loop3A_328 = arith.muli %parallel_loop3A_322, %parallel_loop3A_327 : i32
        %parallel_loop3A_329 = arith.constant 1 : i32
        %parallel_loop3A_330 = arith.addi %parallel_loop3A_328, %parallel_loop3A_329 : i32
        %parallel_loop3A_331 = arith.index_cast %parallel_loop3A_330 : i32 to index
        %parallel_loop3A_332 = tpu.vector_load %arg9[%parallel_loop3A_331] {strides = array<i32>} : memref<4016xi32, #tpu.memory_space<vmem>>, vector<16xi32>,
        %parallel_loop3A_333 = arith.constant 16 : i32
        %parallel_loop3A_334 = arith.muli %parallel_loop3A_322, %parallel_loop3A_333 : i32
        %parallel_loop3A_335 = arith.index_cast %parallel_loop3A_334 : i32 to index
        %parallel_loop3A_336 = tpu.vector_load %arg7[%parallel_loop3A_335] {strides = array<i32>} : memref<4000xf32, #tpu.memory_space<vmem>>, vector<16xf32>,
        %parallel_loop3A_337 = arith.constant true
        %parallel_loop3A_338 = vector.broadcast %parallel_loop3A_337 : i1 to vector<16xi1>
        %parallel_loop3A_339 = tpu.scan <sum>, %parallel_loop3A_336 masked %parallel_loop3A_338 : vector<16xf32>, vector<16xi1> -> vector<16xf32>
        %parallel_loop3A_340 = arith.cmpi ne, %parallel_loop3A_326, %parallel_loop3A_332 : vector<16xi32>
        %parallel_loop3A_341 = vector.broadcast %mul3A_2 : i32 to vector<16xi32>
        %parallel_loop3A_342 = arith.subi %parallel_loop3A_326, %parallel_loop3A_341 : vector<16xi32>
        %parallel_loop3A_343 = vector.broadcast %mul3A_2 : i32 to vector<16xi32>
        %parallel_loop3A_344 = arith.subi %parallel_loop3A_332, %parallel_loop3A_343 : vector<16xi32>
        %parallel_loop3A_345 = vector.bitcast %parallel_loop3A_342 : vector<16xi32> to vector<16xi32>
        %parallel_loop3A_346 = arith.constant 3136 : i32
        %parallel_loop3A_347 = vector.broadcast %parallel_loop3A_346 : i32 to vector<16xi32>
        %parallel_loop3A_348 = arith.cmpi ult, %parallel_loop3A_345, %parallel_loop3A_347 : vector<16xi32>
        %parallel_loop3A_349 = vector.bitcast %parallel_loop3A_344 : vector<16xi32> to vector<16xi32>
        %parallel_loop3A_350 = arith.constant 3136 : i32
        %parallel_loop3A_351 = vector.broadcast %parallel_loop3A_350 : i32 to vector<16xi32>
        %parallel_loop3A_352 = arith.cmpi ult, %parallel_loop3A_349, %parallel_loop3A_351 : vector<16xi32>
        %parallel_loop3A_353 = arith.ori %parallel_loop3A_340, %eq3A_6 : vector<16xi1>
        %parallel_loop3A_354 = arith.andi %parallel_loop3A_353, %parallel_loop3A_348 : vector<16xi1>
        %parallel_loop3A_355 = arith.constant dense<true> : vector<16xi1>
        %parallel_loop3A_356 = arith.xori %eq3A_6, %parallel_loop3A_355 : vector<16xi1>
        %parallel_loop3A_357 = arith.andi %parallel_loop3A_340, %parallel_loop3A_356 : vector<16xi1>
        %parallel_loop3A_358 = arith.andi %parallel_loop3A_357, %parallel_loop3A_352 : vector<16xi1>
        tpu.vector_store_idx %arg6[%parallel_loop3A_342], %parallel_loop3A_339 masked %parallel_loop3A_354 {add = true} : memref<3136xf32, #tpu.memory_space<vmem>>[vector<16xi32>], vector<16xf32>, vector<16xi1>
        %parallel_loop3A_359 = arith.constant 0.000000e+00 : f32
        %parallel_loop3A_360 = vector.broadcast %parallel_loop3A_359 : f32 to vector<16xf32>
        %parallel_loop3A_361 = arith.subf %parallel_loop3A_360, %parallel_loop3A_339 : vector<16xf32>
        tpu.vector_store_idx %arg6[%parallel_loop3A_344], %parallel_loop3A_361 masked %parallel_loop3A_358 {add = true} : memref<3136xf32, #tpu.memory_space<vmem>>[vector<16xi32>], vector<16xf32>, vector<16xi1>
      } {sc.loop_unroll_factor = 4 : i64, sc.parallel_access}
      %add3A_310 = arith.constant 2 : i32
      %add3A_311 = arith.addi %add3A_291, %add3A_310 : i32
      %lt3A_312 = arith.cmpi slt, %add3A_311, %reduce_sum3A_248 : i32
      %convert_element_type3A_313 = arith.extui %lt3A_312 : i1 to i32
      %cond3A_314 = arith.constant 0 : i32
      %cond3A_315 = arith.cmpi ne, %convert_element_type3A_313, %cond3A_314 : i32
      scf.if %cond3A_315 {
        %add3A_322 = arith.constant 2 : i32
        %add3A_323 = arith.addi %add3A_291, %add3A_322 : i32
        %mul3A_324 = arith.constant 4000 : i32
        %mul3A_325 = arith.muli %add3A_323, %mul3A_324 : i32
        %dma_start3A_326 = tpu.memref_slice %arg2[%mul3A_325] : memref<6400000xf32, #tpu.memory_space<hbm>> -> memref<4000xf32, #tpu.memory_space<hbm>>
        %dma_start3A_327 = tpu.memref_slice %arg2[%mul3A_325] : memref<6400000xf32, #tpu.memory_space<hbm>> -> memref<4000xf32, #tpu.memory_space<hbm>>
        tpu.enqueue_dma source(%dma_start3A_327 : memref<4000xf32, #tpu.memory_space<hbm>>) target(%arg7 : memref<4000xf32, #tpu.memory_space<vmem>>) target_semaphore(%arg13 : memref<!tpu.dma_semaphore, #tpu.memory_space<semaphore_mem>>)
        %dma_start3A_328 = arith.constant 0 : i32
        %dma_start3A_329 = tpu.memref_slice %arg9[%dma_start3A_328] : memref<4016xi32, #tpu.memory_space<vmem>> -> memref<4000xi32, #tpu.memory_space<vmem>>
        %dma_start3A_330 = tpu.memref_slice %arg3[%mul3A_325] : memref<6400000xi32, #tpu.memory_space<hbm>> -> memref<4000xi32, #tpu.memory_space<hbm>>
        %dma_start3A_331 = arith.constant 0 : i32
        %dma_start3A_332 = tpu.memref_slice %arg9[%dma_start3A_331] : memref<4016xi32, #tpu.memory_space<vmem>> -> memref<4000xi32, #tpu.memory_space<vmem>>
        %dma_start3A_333 = tpu.memref_slice %arg3[%mul3A_325] : memref<6400000xi32, #tpu.memory_space<hbm>> -> memref<4000xi32, #tpu.memory_space<hbm>>
        tpu.enqueue_dma source(%dma_start3A_333 : memref<4000xi32, #tpu.memory_space<hbm>>) target(%dma_start3A_332 : memref<4000xi32, #tpu.memory_space<vmem>>) target_semaphore(%arg15 : memref<!tpu.dma_semaphore, #tpu.memory_space<semaphore_mem>>)
      } else {
      }
      %add3A_316 = arith.constant 1 : i32
      %add3A_317 = arith.addi %add3A_291, %add3A_316 : i32
      %lt3A_318 = arith.cmpi slt, %add3A_317, %reduce_sum3A_248 : i32
      %convert_element_type3A_319 = arith.extui %lt3A_318 : i1 to i32
      %cond3A_320 = arith.constant 0 : i32
      %cond3A_321 = arith.cmpi ne, %convert_element_type3A_319, %cond3A_320 : i32
      scf.if %cond3A_321 {
        %add3A_322 = arith.constant 1 : i32
        %add3A_323 = arith.addi %add3A_291, %add3A_322 : i32
        %mul3A_324 = arith.constant 4000 : i32
        %mul3A_325 = arith.muli %add3A_323, %mul3A_324 : i32
        %dma_wait3A_326 = tpu.memref_slice %arg2[%mul3A_325] : memref<6400000xf32, #tpu.memory_space<hbm>> -> memref<4000xf32, #tpu.memory_space<hbm>>
        %dma_wait3A_327 = tpu.memref_slice %arg2[%mul3A_325] : memref<6400000xf32, #tpu.memory_space<hbm>> -> memref<4000xf32, #tpu.memory_space<hbm>>
        tpu.wait_dma2 semaphore(%arg14 : memref<!tpu.dma_semaphore, #tpu.memory_space<semaphore_mem>>) src(%dma_wait3A_327 : memref<4000xf32, #tpu.memory_space<hbm>>) dst(%arg8 : memref<4000xf32, #tpu.memory_space<vmem>>)
        %dma_wait3A_328 = arith.constant 0 : i32
        %dma_wait3A_329 = tpu.memref_slice %arg10[%dma_wait3A_328] : memref<4016xi32, #tpu.memory_space<vmem>> -> memref<4000xi32, #tpu.memory_space<vmem>>
        %dma_wait3A_330 = tpu.memref_slice %arg3[%mul3A_325] : memref<6400000xi32, #tpu.memory_space<hbm>> -> memref<4000xi32, #tpu.memory_space<hbm>>
        %dma_wait3A_331 = arith.constant 0 : i32
        %dma_wait3A_332 = tpu.memref_slice %arg10[%dma_wait3A_331] : memref<4016xi32, #tpu.memory_space<vmem>> -> memref<4000xi32, #tpu.memory_space<vmem>>
        %dma_wait3A_333 = tpu.memref_slice %arg3[%mul3A_325] : memref<6400000xi32, #tpu.memory_space<hbm>> -> memref<4000xi32, #tpu.memory_space<hbm>>
        tpu.wait_dma2 semaphore(%arg16 : memref<!tpu.dma_semaphore, #tpu.memory_space<semaphore_mem>>) src(%dma_wait3A_333 : memref<4000xi32, #tpu.memory_space<hbm>>) dst(%dma_wait3A_332 : memref<4000xi32, #tpu.memory_space<vmem>>)
        %parallel_loop3A_334 = arith.constant 0 : i32
        %parallel_loop3A_335 = arith.constant 250 : i32
        %parallel_loop3A_336 = arith.constant 1 : i32
        scf.for %parallel_loop3A_337 = %parallel_loop3A_334 to %parallel_loop3A_335 step %parallel_loop3A_336  : i32 {
          %parallel_loop3A_338 = arith.constant 16 : i32
          %parallel_loop3A_339 = arith.muli %parallel_loop3A_337, %parallel_loop3A_338 : i32
          %parallel_loop3A_340 = arith.index_cast %parallel_loop3A_339 : i32 to index
          %parallel_loop3A_341 = tpu.vector_load %arg10[%parallel_loop3A_340] {strides = array<i32>} : memref<4016xi32, #tpu.memory_space<vmem>>, vector<16xi32>,
          %parallel_loop3A_342 = arith.constant 16 : i32
          %parallel_loop3A_343 = arith.muli %parallel_loop3A_337, %parallel_loop3A_342 : i32
          %parallel_loop3A_344 = arith.constant 1 : i32
          %parallel_loop3A_345 = arith.addi %parallel_loop3A_343, %parallel_loop3A_344 : i32
          %parallel_loop3A_346 = arith.index_cast %parallel_loop3A_345 : i32 to index
          %parallel_loop3A_347 = tpu.vector_load %arg10[%parallel_loop3A_346] {strides = array<i32>} : memref<4016xi32, #tpu.memory_space<vmem>>, vector<16xi32>,
          %parallel_loop3A_348 = arith.constant 16 : i32
          %parallel_loop3A_349 = arith.muli %parallel_loop3A_337, %parallel_loop3A_348 : i32
          %parallel_loop3A_350 = arith.index_cast %parallel_loop3A_349 : i32 to index
          %parallel_loop3A_351 = tpu.vector_load %arg8[%parallel_loop3A_350] {strides = array<i32>} : memref<4000xf32, #tpu.memory_space<vmem>>, vector<16xf32>,
          %parallel_loop3A_352 = arith.constant true
          %parallel_loop3A_353 = vector.broadcast %parallel_loop3A_352 : i1 to vector<16xi1>
          %parallel_loop3A_354 = tpu.scan <sum>, %parallel_loop3A_351 masked %parallel_loop3A_353 : vector<16xf32>, vector<16xi1> -> vector<16xf32>
          %parallel_loop3A_355 = arith.cmpi ne, %parallel_loop3A_341, %parallel_loop3A_347 : vector<16xi32>
          %parallel_loop3A_356 = vector.broadcast %mul3A_2 : i32 to vector<16xi32>
          %parallel_loop3A_357 = arith.subi %parallel_loop3A_341, %parallel_loop3A_356 : vector<16xi32>
          %parallel_loop3A_358 = vector.broadcast %mul3A_2 : i32 to vector<16xi32>
          %parallel_loop3A_359 = arith.subi %parallel_loop3A_347, %parallel_loop3A_358 : vector<16xi32>
          %parallel_loop3A_360 = vector.bitcast %parallel_loop3A_357 : vector<16xi32> to vector<16xi32>
          %parallel_loop3A_361 = arith.constant 3136 : i32
          %parallel_loop3A_362 = vector.broadcast %parallel_loop3A_361 : i32 to vector<16xi32>
          %parallel_loop3A_363 = arith.cmpi ult, %parallel_loop3A_360, %parallel_loop3A_362 : vector<16xi32>
          %parallel_loop3A_364 = vector.bitcast %parallel_loop3A_359 : vector<16xi32> to vector<16xi32>
          %parallel_loop3A_365 = arith.constant 3136 : i32
          %parallel_loop3A_366 = vector.broadcast %parallel_loop3A_365 : i32 to vector<16xi32>
          %parallel_loop3A_367 = arith.cmpi ult, %parallel_loop3A_364, %parallel_loop3A_366 : vector<16xi32>
          %parallel_loop3A_368 = arith.ori %parallel_loop3A_355, %eq3A_6 : vector<16xi1>
          %parallel_loop3A_369 = arith.andi %parallel_loop3A_368, %parallel_loop3A_363 : vector<16xi1>
          %parallel_loop3A_370 = arith.constant dense<true> : vector<16xi1>
          %parallel_loop3A_371 = arith.xori %eq3A_6, %parallel_loop3A_370 : vector<16xi1>
          %parallel_loop3A_372 = arith.andi %parallel_loop3A_355, %parallel_loop3A_371 : vector<16xi1>
          %parallel_loop3A_373 = arith.andi %parallel_loop3A_372, %parallel_loop3A_367 : vector<16xi1>
          tpu.vector_store_idx %arg6[%parallel_loop3A_357], %parallel_loop3A_354 masked %parallel_loop3A_369 {add = true} : memref<3136xf32, #tpu.memory_space<vmem>>[vector<16xi32>], vector<16xf32>, vector<16xi1>
          %parallel_loop3A_374 = arith.constant 0.000000e+00 : f32
          %parallel_loop3A_375 = vector.broadcast %parallel_loop3A_374 : f32 to vector<16xf32>
          %parallel_loop3A_376 = arith.subf %parallel_loop3A_375, %parallel_loop3A_354 : vector<16xf32>
          tpu.vector_store_idx %arg6[%parallel_loop3A_359], %parallel_loop3A_376 masked %parallel_loop3A_373 {add = true} : memref<3136xf32, #tpu.memory_space<vmem>>[vector<16xi32>], vector<16xf32>, vector<16xi1>
        } {sc.loop_unroll_factor = 4 : i64, sc.parallel_access}
      } else {
      }
    }
    "tpu.region"() ({
      %run_scoped3A = tpu.sem_alloc : memref<!tpu.dma_semaphore, #tpu.memory_space<semaphore_mem>>
      %dma_start3A_288 = tpu.memref_slice %arg5[%mul3A_2] : memref<100352xf32, #tpu.memory_space<hbm>> -> memref<3136xf32, #tpu.memory_space<hbm>>
      %dma_start3A_289 = tpu.memref_slice %arg5[%mul3A_2] : memref<100352xf32, #tpu.memory_space<hbm>> -> memref<3136xf32, #tpu.memory_space<hbm>>
      tpu.enqueue_dma source(%arg6 : memref<3136xf32, #tpu.memory_space<vmem>>) target(%dma_start3A_289 : memref<3136xf32, #tpu.memory_space<hbm>>) target_semaphore(%run_scoped3A : memref<!tpu.dma_semaphore, #tpu.memory_space<semaphore_mem>>)
      %dma_wait3A_290 = tpu.memref_slice %arg5[%mul3A_2] : memref<100352xf32, #tpu.memory_space<hbm>> -> memref<3136xf32, #tpu.memory_space<hbm>>
      %dma_wait3A_291 = tpu.memref_slice %arg5[%mul3A_2] : memref<100352xf32, #tpu.memory_space<hbm>> -> memref<3136xf32, #tpu.memory_space<hbm>>
      tpu.wait_dma2 semaphore(%run_scoped3A : memref<!tpu.dma_semaphore, #tpu.memory_space<semaphore_mem>>) src(%arg6 : memref<3136xf32, #tpu.memory_space<vmem>>) dst(%dma_wait3A_291 : memref<3136xf32, #tpu.memory_space<hbm>>)
      tpu.yield
    }) : () -> ()
    return
  }
}

</mosaic_0001>

<sc_bundles>
// kernel: kernel.3.cloned.1.call-start
scs
__scs_entry_jumppad:
0x0: {  	(pc) =	sbr.rel $0x88, $3  }
0x1: {  	(tag) =	ssettag $0x0;
	lr =	simm.s32 $0x1  }
0x2: {  	[smem:$0x3F9E] =	sst lr;
	_ =	strace $0xD0000000  }
0x3: {  	_ = 	snop  }
0x4: {  	_ = 	snop  }
0x5: {  	_ = 	snop  }
0x6: {  	_ = 	snop  }
0x7: {  	_ = 	snop  }
__scs_overlays_trampoline_lowered:
0x8: {  	[smem:$0x3FAD] =	sst s0  }
0x9: {  	[smem:$0x3FAE] =	sst s1  }
0xa: {  	[smem:$0x3FAF] =	sst s2  }
0xb: {  	[smem:$0x3FB0] =	sst s3  }
0xc: {  	[smem:$0x3FB1] =	sst s4  }
0xd: {  	[smem:$0x3FB2] =	sst s5  }
0xe: {  	[smem:$0x3FB3] =	sst s6  }
0xf: {  	[smem:$0x3FB4] =	sst s7  }
0x10: {  	[smem:$0x3FB5] =	sst s8  }
0x11: {  	[smem:$0x3FB6] =	sst s9;
	s0 =	simm.s32 @!p0 $0x0  }
0x12: {  	s1 =	sld [smem:$0x3F9C];
	s0 =	simm.s32 @p0 $0x1  }
0x13: {  	[smem:$0x3FB7] =	sst s0;
	s0 =	simm.s32 @!p1 $0x0  }
0x14: {  	s2 =	sld [smem:$0x3F9B];
	s0 =	simm.s32 @p1 $0x1  }
0x15: {  	[smem:$0x3FB8] =	sst s0;
	s0 =	simm.s32 @!p2 $0x0  }
0x16: {  	s3 =	sld [smem:$0x3FDB];
	s0 =	simm.s32 @p2 $0x1  }
0x17: {  	s4 =	simm.s32 $0x1BF5;
	[smem:$0x3FBA] =	sst s0  }
0x18: {  	s0 =	sld [smem:$0x3F9D];
	_ =	swait.ge [sflag:s4], $0x0  }
0x19: {  	s7 =	sld [smem:$0x3F9E]  }
0x1a: {  	s8 =	sadd.s32 $0xFFFFE003, lr  }
0x1b: {  	s9 =	sadd.s32 $0xFFFFFEF7, lr;
	s5 =	simm.s32 $0xFFFFFFFF;
	p2 =	slt.u32 s8, $0xFFFFF086  }
0x1c: {  	p1 =	slt.u32 s9, $0xF7A;
	s5 =	simm.s32 @!p2 $0x0  }
0x1d: {  	s5 =	simm.s32 @p1 $0x1;
	p0 =	seq.s32 s7, s2  }
0x1e: {  	s7 =	smul.u32 @!p0 $0xF7A, s2;
	p2 =	seq.s32 @!p0 s5, $0x0  }
0x1f: {  	s9 =	smul.u32 $0xF7A, s1;
	s8 =	simm.s32 @!p0 $0x1BF5;
	p2 =	por !p2, p0  }
0x20: {  	[sflag:s8] =	ssyncset.s32 @!p0 $0xFFFFF086;
	s6 =	sadd.s32 @!p0 s3, s7;
	s7 =	simm.s32 @!p0 $0x108  }
0x21: {  	s3 =	sadd.s32 s3, s9;
	s6 =	sadd.s32 @!p0 $0x88, s6;
	s7 =	simm.s32 @p2 $0x1082  }
0x22: {  	[simem:s7], [sflag:s8] =	dma.local @!p0 [hbm:s6], $0xF7A  }
0x23: {  	s9 =	sor.u32 $0xD0000000, s2;
	s6 =	simm.s32 $0x108;
	_ =	swait.ge @!p0 [sflag:s8], $0x0  }
0x24: {  	s3 =	sadd.s32 $0x88, s3;
	s6 =	simm.s32 @!p1 $0x1082;
	[sflag:s4] =	ssyncset.s32 $0xFFFFF086  }
0x25: {  	[simem:s6], [sflag:s4] =	dma.local [hbm:s3], $0xF7A  }
0x26: {  	[smem:$0x3F9E] =	sst s1;
	(tag) =	ssettag s2;
	_ =	strace s9  }
0x27: {  	s1 =	sld [smem:$0x3FAE]  }
0x28: {  	s2 =	sld [smem:$0x3FAF]  }
0x29: {  	s4 =	sld [smem:$0x3FB1]  }
0x2a: {  	p0 =	seq.s32 s5, $0x0;
	s5 =	sld [smem:$0x3FB2]  }
0x2b: {  	s6 =	sld [smem:$0x3FB3]  }
0x2c: {  	s7 =	sld [smem:$0x3FB4]  }
0x2d: {  	s3 =	simm.s32 $0x108;
	s8 =	sld [smem:$0x3FB5]  }
0x2e: {  	s3 =	simm.s32 @!p0 $0x1082;
	s9 =	sld [smem:$0x3FB6]  }
0x2f: {  	lr =	sadd.s32 s0, s3;
	s0 =	sld [smem:$0x3FAD]  }
0x30: {  	s3 =	sld [smem:$0x3FB0]  }
0x31: {  	[smem:$0x3FB9] =	sst s10  }
0x32: {  	s10 =	sld [smem:$0x3FB7];
	_ =	sdelay $0x3  }
0x33: {  	p0 =	seq.s32 s10, $0x1;
	s10 =	sld [smem:$0x3FB9];
	_ =	sdelay $0x3  }
0x34: {  	[smem:$0x3FB9] =	sst s10  }
0x35: {  	s10 =	sld [smem:$0x3FB8];
	_ =	sdelay $0x3  }
0x36: {  	p1 =	seq.s32 s10, $0x1;
	s10 =	sld [smem:$0x3FB9];
	_ =	sdelay $0x3  }
0x37: {  	[smem:$0x3FB9] =	sst s10  }
0x38: {  	s10 =	sld [smem:$0x3FBA]  }
0x39: {  	_ = 	snop;
	(pc) =	sbr.ind lr, $3  }
0x3a: {  	_ = 	snop  }
0x3b: {  	_ = 	snop  }
0x3c: {  	p2 =	seq.s32 s10, $0x1;
	s10 =	sld [smem:$0x3FB9]  }
0x3d: {  	_ =	shalt  }
0x3e: {  	_ =	shalt  }
0x3f: {  	_ =	shalt  }
0x40: {  	_ =	shalt  }
0x41: {  	_ =	shalt  }
0x42: {  	_ =	shalt  }
0x43: {  	_ =	shalt  }
0x44: {  	_ =	shalt  }
0x45: {  	_ =	shalt  }
0x46: {  	_ =	shalt  }
0x47: {  	_ =	shalt  }
0x48: {  	_ =	shalt  }
0x49: {  	_ =	shalt  }
0x4a: {  	_ =	shalt  }
0x4b: {  	_ =	shalt  }
0x4c: {  	_ =	shalt  }
0x4d: {  	_ =	shalt  }
0x4e: {  	_ =	shalt  }
0x4f: {  	_ =	shalt  }
0x50: {  	_ =	shalt  }
0x51: {  	_ =	shalt  }
0x52: {  	_ =	shalt  }
0x53: {  	_ =	shalt  }
0x54: {  	_ =	shalt  }
0x55: {  	_ =	shalt  }
0x56: {  	_ =	shalt  }
0x57: {  	_ =	shalt  }
0x58: {  	_ =	shalt  }
0x59: {  	_ =	shalt  }
0x5a: {  	_ =	shalt  }
0x5b: {  	_ =	shalt  }
0x5c: {  	_ =	shalt  }
0x5d: {  	_ =	shalt  }
0x5e: {  	_ =	shalt  }
0x5f: {  	_ =	shalt  }
0x60: {  	_ =	shalt  }
0x61: {  	_ =	shalt  }
0x62: {  	_ =	shalt  }
0x63: {  	_ =	shalt  }
0x64: {  	_ =	shalt  }
0x65: {  	_ =	shalt  }
0x66: {  	_ =	shalt  }
0x67: {  	_ =	shalt  }
0x68: {  	_ =	shalt  }
0x69: {  	_ =	shalt  }
0x6a: {  	_ =	shalt  }
0x6b: {  	_ =	shalt  }
0x6c: {  	_ =	shalt  }
0x6d: {  	_ =	shalt  }
0x6e: {  	_ =	shalt  }
0x6f: {  	_ =	shalt  }
0x70: {  	_ =	shalt  }
0x71: {  	_ =	shalt  }
0x72: {  	_ =	shalt  }
0x73: {  	_ =	shalt  }
0x74: {  	_ =	shalt  }
0x75: {  	_ =	shalt  }
0x76: {  	_ =	shalt  }
0x77: {  	_ =	shalt  }
0x78: {  	_ =	shalt  }
0x79: {  	_ =	shalt  }
0x7a: {  	_ =	shalt  }
0x7b: {  	_ =	shalt  }
0x7c: {  	_ =	shalt  }
0x7d: {  	_ =	shalt  }
0x7e: {  	_ =	shalt  }
0x7f: {  	_ =	shalt  }
0x80: {  	_ =	shalt  }
0x81: {  	_ =	shalt  }
0x82: {  	_ =	shalt  }
0x83: {  	_ =	shalt  }
0x84: {  	_ =	shalt  }
0x85: {  	_ =	shalt  }
0x86: {  	_ =	shalt  }
0x87: {  	_ =	shalt  }
.Lfunc_end0:
.L_simem_size_0:
called_computation_lowered:
.L_overlay_start_0:
0x88: {  	s2 =	sld [smem:$0x3FD9]  }
0x89: {  	s3 =	sld [smem:$0x3FFE];
	_ =	sdelay $0x1  }
0x8a: {  	s1 =	srdreg.scid  }
0x8b: {  	s0 =	sand.u32 $0x1, s1  }
0x8c: {  	s17 =	sshll.u32 s0, $0xA;
	s2 =	sadd.s32 s3, s2  }
0x8d: {  	s2 =	sadd.s32 s2, s17  }
0x8e: {  	[smem:$0x3FC5] =	sst s2  }
0x8f: {  	_ = 	snop  }
0x90: {  	s2 =	sld [smem:$0x3FC9]  }
0x91: {  	s18 =	sld [smem:$0x3FC7]  }
0x92: {  	s4 =	sld [smem:$0x3FD0];
	(tm) =	ssettm $0x1  }
0x93: {  	s5 =	sld [smem:$0x3FFB];
	_ =	sdelay $0x3  }
0x94: {  	_ =	strace s5  }
0x95: {  	s5 =	sld [smem:$0x3FFC];
	_ =	sdelay $0x3  }
0x96: {  	_ =	strace s5  }
0x97: {  	s5 =	sld [smem:$0x3FFD];
	_ =	sdelay $0x3  }
0x98: {  	_ =	strace s5  }
0x99: {  	_ =	strace $0x8FFFFFFF  }
0x9a: {  	s19 =	sld [smem:$0x3FDB];
	_ =	sdelay $0x1  }
0x9b: {  	s6 =	simm.s32 $_scs_section_size  }
0x9c: {  	s7 =	simm.s32 $_size__tile_overlayer_lowered;
	s8 =	simm.s32 $_tile_overlayer_lowered  }
0x9d: {  	s22 =	simm.s32 $0x1BFF;
	s21 =	sshll.u32 s8, $0x1;
	s5 =	sadd.s32 s6, s19  }
0x9e: {  	s9 =	simm.s32 $0x0;
	s20 =	sshll.u32 s7, $0x1;
	s7 =	sadd.s32 s21, s5  }
0x9f: {  	[timem:s9], [sflag:s22] =	dma.local [hbm:s7], s20  }
0xa0: {  	_ =	swait.ge [sflag:s22], s20  }
0xa1: {  	s6 =	ssub.s32 $0x0, s20;
	[sflag:s22] =	ssyncset.done $0x0  }
0xa2: {  	[sflag:s22] =	ssyncadd.s32 s6;
	_ =	sdelay $0x1  }
0xa3: {  	s23 =	simm.s32 $0x1B8B  }
0xa4: {  	_ =	swait.ge [sflag:s23], $0x1  }
0xa5: {  	[sflag:s23] =	ssyncset.done $0x0  }
0xa6: {  	s25 =	simm.s32 $0x1B8E;
	s24 =	sld [smem:$0x3FFE];
	[sflag:s23] =	ssyncadd.s32 $0xFFFFFFFF  }
0xa7: {  	s26 =	simm.s32 $execute0_lowered;
	[smem:$0x3FD2] =	sst s25  }
0xa8: {  	s7 =	sshll.u32 s26, $0x1;
	_ =	strace $0x80000046;
	[dreg:$0x1] =	wrdreg $0xFFFFFFFF  }
0xa9: {  	s28 =	simm.s32 $_size_execute0_lowered;
	s5 =	sadd.s32 s5, s7;
	[dreg:$0x0] =	wrdreg $0x0  }
0xaa: {  	s7 =	sshll.u32 s28, $0x1;
	[dreg:$0x2] =	wrdreg s5  }
0xab: {  	[dreg:$0x3] =	wrdreg s7  }
0xac: {  	[dreg:$0x4] =	wrdreg $0xC0  }
0xad: {  	_ =	task [dreg:s9], $0x5FFFF  }
0xae: {  	[dreg:$0x1] =	wrdreg $0xFFFFFFFF  }
0xaf: {  	[dreg:$0x0] =	wrdreg $0x60  }
0xb0: {  	[dreg:$0x2] =	wrdreg s2  }
0xb1: {  	[dreg:$0x3] =	wrdreg s18  }
0xb2: {  	[dreg:$0x4] =	wrdreg s4  }
0xb3: {  	[dreg:$0x5] =	wrdreg s24  }
0xb4: {  	[dreg:$0x6] =	wrdreg $0x9  }
0xb5: {  	_ =	task.clear_ibuf [dreg:s9], $0x7FFFF;
	_ =	strace $0x90000046  }
0xb6: {  	s29 =	simm.s32 $0x9;
	_ =	strace $0x80000048  }
0xb7: {  	_ =	swait.ge [sflag:s29], $0x1  }
0xb8: {  	[sflag:s29] =	ssyncadd.s32 $0xFFFFFFFF  }
0xb9: {  	_ =	strace $0x90000048  }
0xba: {  	_ =	sfence  }
0xbb: {  	s30 =	sld [smem:$0x0];
	_ =	sdelay $0x2  }
0xbc: {  	s31 =	sshll.u32 s1, $0xD;
	s1 =	sshrl.u32 s1, $0x2  }
0xbd: {  	s3 =	sand.u32 $0x4000, s31;
	s1 =	sadd.s32 s1, s30  }
0xbe: {  	s0 =	sor.u32 s3, s0;
	s1 =	sshll.u32 s1, $0x11  }
0xbf: {  	s0 =	sor.u32 s1, s0  }
0xc0: {  	s0 =	sadd.s32 $0x8F2B, s0  }
0xc1: {  	[sflag:s0] =	ssyncadd.remote.s32 $0x1  }
0xc2: {  	_ =	sfence.sel $0xFFFF  }
0xc3: {  	[dreg:$0x0] =	wrdreg $0xFFFFFFFF;
	(pc) =	sbr.abs _section_cstart, $3  }
0xc4: {  	[dreg:$0x1] =	wrdreg $0xFFFFFFFF  }
0xc5: {  	_ =	task.clear_ibuf [dreg:s9], $0x2FFFF;
	_ =	strace $0x9FFFFFFF  }
0xc6: {  	(tm) =	ssettm $0x7FFFFFFF  }
0xc7: {  	_ =	shalt  }
tec
execute0_lowered:
.L_overlay_start_1:
0x0: {  	(tag) =	ssettag $0x1  }
0x1: {  	s1 =	rddreg [dreg:$0x0]  }
0x2: {  	s2 =	rddreg [dreg:$0x1]  }
0x3: {  	s0 =	srdreg.scid;
	s5 =	rddreg [dreg:$0x2]  }
0x4: {  	s3 =	stileid.u32;
	s6 =	rddreg [dreg:$0x3]  }
0x5: {  	s4 =	simm.s32 $0x0;
	s8 =	simm.s32 $0x6;
	s9 =	simm.s32 $0x80  }
0x6: {  	s29 =	simm.s32 $0x5100;
	s30 =	simm.s32 $0x5780;
	s31 =	simm.s32 $0x5180  }
0x7: {  	s10 =	simm.s32 $0x5880;
	s11 =	simm.s32 $0x5280;
	s12 =	simm.s32 $0x5900  }
0x8: {  	s15 =	simm.s32 $0x3;
	s0 =	sand.u32 $0x1, s0;
	s3 =	sshll.u32 s3, $0x1  }
0x9: {  	s16 =	simm.s32 $0x2;
	s17 =	simm.s32 $0x4;
	s3 =	sor.u32 s0, s3  }
0xa: {  	s18 =	simm.s32 $0x0;
	s0 =	ssub.s32 $0x2, s0;
	s13 =	smul.u32 $0xC40, s3  }
.Ltmp0:
0xb: {  	[smem:$0x7FF] =	sst s4;
	s7 =	sshrl.u32 s0, $0x1;
	(pc) =	sbr.rel .LBB2_1-.Ltmp0, $4  }
0xc: {  	_ =	strace $0x80000047;
	s0 =	ssub.s32 s0, s7;
	s3 =	sshrl.u32 s13, $0x3  }
0xd: {  	v2 =	vlaneseq.u32;
	s14 =	sadd.s32 $0xC40, s13;
	s7 =	smax.u32 s0, $0x1;
	s0 =	simm.s32 $0x5200  }
0xe: {  	v3 =	vimm.s32 $0x0;
	vm0 =	vcmask $0x3F3C;
	v0 =	vmov s13;
	s13 =	simm.s32 $0x5;
	s6 =	sadd.s32 s3, s6;
	s5 =	sadd.s32 s5, s3  }
0xf: {  	vm1 =	vmmov $0x7fff;
	v2 =	vmul.u32 $0xFA0, v2;
	s3 =	simm.s32 $0x5800;
	v1 =	vmov s14;
	s14 =	simm.s32 $0x1;
	s6 =	sadd.s32 $0x400, s6  }
.LBB2_16:
0x10: {  	s18 =	sadd.s32 $0x1, s18  }
0x11: {  	p0 =	sne.s32 s18, s7  }
.Ltmp1:
0x12: {  	_ = 	snop;
	(pc) =	sbr.rel @!p0 .LBB2_17-.Ltmp1, $4  }
0x13: {  	[hbm4b:s6+s4] =	stream.linear.scatter [tilespmem:s4], [sflag:$0x6], $0xC40, $0x38;
	[tilespmem:$0x5980] =	vst v63  }
0x14: {  	_ =	swait.ge [sflag:s8], $0xC40  }
0x15: {  	[sflag:s8] =	ssyncset.done $0x0  }
0x16: {  	[sflag:s8] =	ssyncadd.s32 $0xFFFFF3C0  }
.LBB2_1:
0x17: {  	s19 =	simm.s32 $0x70  }
0x18: {  	s20 =	simm.s32 $0x10;
	s21 =	simm.s32 $0x60;
	s23 =	simm.s32 $0x20;
	v4 =	vmov s19  }
0x19: {  	s24 =	simm.s32 $0x30;
	s25 =	simm.s32 $0x0;
	s26 =	simm.s32 $0x40;
	v5 =	vmov s20;
	v6 =	vmov s21;
	v8 =	vmov s23  }
0x1a: {  	s28 =	simm.s32 $0x50;
	v9 =	vmov s24;
	v11 =	vmov s25;
	v12 =	vmov s26  }
0x1b: {  	v13 =	vmov s28;
	v7 =	vmul.u32 $0xFA0, v4;
	v10 =	vmul.u32 $0xFA0, v6  }
0x1c: {  	v14 =	vmul.u32 $0xFA0, v11;
	vm2 =	vlt.u32 v6, $0x640;
	v15 =	vmul.u32 $0xFA0, v8  }
0x1d: {  	v16 =	vmul.u32 $0xFA0, v9;
	v17 =	vmul.u32 $0xFA0, v12;
	v18 =	vmul.u32 $0xFA0, v13  }
0x1e: {  	vm3 =	vlt.u32 v5, $0x640;
	vm4 =	vlt.u32 v8, $0x640;
	vm5 =	vlt.u32 v9, $0x640  }
0x1f: {  	[tilespmem:s4], [sflag:$0x6] =	stream.linear.gather [hbm4b:s5+s4], $0xC40, $0x38;
	vm6 =	vlt.u32 v12, $0x640;
	vm7 =	vlt.u32 v4, $0x640;
	v6 =	vadd.s32 v2, v10;
	[tilespmem:$0x5980] =	vst v63  }
0x20: {  	_ =	swait.ge [sflag:s8], $0xC40;
	v10 =	vmul.u32 $0xFA0, v5;
	v14 =	vadd.s32 v2, v14;
	v15 =	vadd.s32 v2, v15  }
0x21: {  	[sflag:s8] =	ssyncset.done $0x0;
	v16 =	vadd.s32 v2, v16;
	v17 =	vadd.s32 v2, v17;
	v18 =	vadd.s32 v2, v18  }
0x22: {  	s19 =	simm.s32 $0x4CC0;
	[sflag:s8] =	ssyncadd.s32 $0xFFFFF3C0;
	v6 =	vnsel vm2, $0x0, v6;
	vm2 =	vlt.u32 v11, $0x640;
	v11 =	vadd.s32 v2, v7  }
0x23: {  	v8 =	vnsel vm4, $0x0, v15;
	v10 =	vadd.s32 v2, v10;
	[tilespmem:s19+$0x20] =	vst v6;
	v5 =	vnsel vm2, $0x0, v14  }
0x24: {  	v7 =	vnsel vm5, $0x0, v16;
	vm2 =	vlt.u32 v13, $0x640;
	[tilespmem:s19+$0xFFFFFFC0] =	vst v5;
	v4 =	vnsel vm3, $0x0, v10  }
0x25: {  	s20 =	simm.s32 $0x0;
	s21 =	simm.s32 $0xF0;
	v6 =	vnsel vm6, $0x0, v17;
	v5 =	vnsel vm2, $0x0, v18;
	[tilespmem:s19+$0xFFFFFFD0] =	vst v4;
	v4 =	vnsel vm7, $0x0, v11  }
.LBB2_2:
0x26: {  	s22 =	sadd.s32 $0xFFFFFFA0, s21;
	s23 =	sadd.s32 $0xFFFFFFF0, s21;
	v9 =	vmov s21;
	s20 =	sadd.s32 $0x8, s20;
	[tilespmem:s19+$0xFFFFFFE0] =	vst v8  }
0x27: {  	s24 =	sadd.s32 $0xFFFFFFC0, s21;
	v8 =	vmov s22;
	s22 =	sadd.s32 $0xFFFFFFB0, s21;
	v10 =	vmov s23;
	v11 =	vmul.u32 $0xFA0, v9;
	p0 =	slt.u32 s20, $0x60;
	[tilespmem:s19+$0xFFFFFFF0] =	vst v7  }
0x28: {  	s23 =	sadd.s32 $0xFFFFFF90, s21;
	v12 =	vmov s24;
	s24 =	sadd.s32 $0xFFFFFFE0, s21;
	v7 =	vmov s22;
	s22 =	sadd.s32 $0xFFFFFFD0, s21;
	v13 =	vmul.u32 $0xFA0, v10;
	[tilespmem:s19+$0x0] =	vst v6  }
0x29: {  	v6 =	vmov s23;
	v15 =	vmov s24;
	v14 =	vmov s22;
	[tilespmem:s19+$0x10] =	vst v5  }
0x2a: {  	vm2 =	vlt.u32 v10, $0x640;
	v5 =	vmul.u32 $0xFA0, v6;
	v10 =	vadd.s32 v2, v13;
	[tilespmem:s19+$0x30] =	vst v4  }
0x2b: {  	v4 =	vmul.u32 $0xFA0, v8;
	v13 =	vmul.u32 $0xFA0, v7;
	s19 =	sadd.s32 $0x80, s19;
	v10 =	vnsel vm2, $0x0, v10  }
0x2c: {  	v16 =	vmul.u32 $0xFA0, v12;
	v18 =	vmul.u32 $0xFA0, v15;
	v17 =	vmul.u32 $0xFA0, v14;
	[tilespmem:s19+$0x20] =	vst v10  }
0x2d: {  	v5 =	vadd.s32 v2, v5;
	v4 =	vadd.s32 v2, v4;
	v10 =	vadd.s32 v2, v13  }
0x2e: {  	v13 =	vadd.s32 v2, v16;
	v16 =	vadd.s32 v2, v17;
	v17 =	vadd.s32 v2, v18  }
.Ltmp2:
0x2f: {  	vm3 =	vlt.u32 v8, $0x640;
	v11 =	vadd.s32 v2, v11;
	vm2 =	vlt.u32 v6, $0x640;
	(pc) =	sbr.rel @p0 .LBB2_2-.Ltmp2, $4  }
0x30: {  	vm5 =	vlt.u32 v12, $0x640;
	vm4 =	vlt.u32 v7, $0x640;
	vm6 =	vlt.u32 v14, $0x640  }
0x31: {  	vm7 =	vlt.u32 v9, $0x640;
	v5 =	vnsel vm2, $0x0, v5;
	vm2 =	vlt.u32 v15, $0x640  }
0x32: {  	v4 =	vnsel vm3, $0x0, v4;
	v8 =	vnsel vm4, $0x0, v10;
	v7 =	vnsel vm5, $0x0, v13;
	[tilespmem:s19+$0xFFFFFFC0] =	vst v5  }
0x33: {  	s21 =	sadd.s32 $0x80, s21;
	v6 =	vnsel vm6, $0x0, v16;
	v5 =	vnsel vm2, $0x0, v17;
	[tilespmem:s19+$0xFFFFFFD0] =	vst v4;
	v4 =	vnsel vm7, $0x0, v11  }
0x34: {  	[tilespmem:s19+$0xFFFFFFE0] =	vst v8  }
0x35: {  	[tilespmem:s19+$0xFFFFFFF0] =	vst v7  }
0x36: {  	[tilespmem:s19+$0x0] =	vst v6  }
0x37: {  	[tilespmem:s19+$0x10] =	vst v5  }
0x38: {  	[tilespmem:s19+$0x30] =	vst v4;
	s25 =	simm.s32 $0x4C80;
	s20 =	simm.s32 $0x5300  }
0x39: {  	[tilespmem:s20], [sflag:$0x5] =	stream.indirect.gather [hbm4b:s2+s9], $0x1, s25, s9, $0xb8;
	[tilespmem:$0x5980] =	vst v63  }
0x3a: {  	s26 =	simm.s32 $0x4D00;
	s28 =	simm.s32 $0x5380  }
0x3b: {  	[tilespmem:s28], [sflag:$0x5] =	stream.indirect.gather [hbm4b:s2+s9], $0x1, s26, s9, $0xb8;
	[tilespmem:$0x5980] =	vst v63  }
0x3c: {  	s21 =	simm.s32 $0x5400;
	s20 =	simm.s32 $0x4D80  }
0x3d: {  	[tilespmem:s21], [sflag:$0x5] =	stream.indirect.gather [hbm4b:s2+s9], $0x1, s20, s9, $0xb8;
	[tilespmem:$0x5980] =	vst v63  }
0x3e: {  	s22 =	simm.s32 $0x4E00;
	s23 =	simm.s32 $0x5480  }
0x3f: {  	[tilespmem:s23], [sflag:$0x5] =	stream.indirect.gather [hbm4b:s2+s9], $0x1, s22, s9, $0xb8;
	[tilespmem:$0x5980] =	vst v63  }
0x40: {  	s24 =	simm.s32 $0x4E80;
	s25 =	simm.s32 $0x5500  }
0x41: {  	[tilespmem:s25], [sflag:$0x5] =	stream.indirect.gather [hbm4b:s2+s9], $0x1, s24, s9, $0xb8;
	[tilespmem:$0x5980] =	vst v63  }
0x42: {  	s26 =	simm.s32 $0x4F00;
	s28 =	simm.s32 $0x5580  }
0x43: {  	[tilespmem:s28], [sflag:$0x5] =	stream.indirect.gather [hbm4b:s2+s9], $0x1, s26, s9, $0xb8;
	[tilespmem:$0x5980] =	vst v63  }
0x44: {  	s21 =	simm.s32 $0x4F80;
	s22 =	simm.s32 $0x5600  }
0x45: {  	[tilespmem:s22], [sflag:$0x5] =	stream.indirect.gather [hbm4b:s2+s9], $0x1, s21, s9, $0xb8;
	[tilespmem:$0x5980] =	vst v63  }
0x46: {  	s23 =	simm.s32 $0x5000;
	s24 =	simm.s32 $0x5680  }
0x47: {  	[tilespmem:s24], [sflag:$0x5] =	stream.indirect.gather [hbm4b:s2+s9], $0x1, s23, s9, $0xb8;
	[tilespmem:$0x5980] =	vst v63  }
0x48: {  	s25 =	simm.s32 $0x5080;
	s26 =	simm.s32 $0x5700  }
0x49: {  	[tilespmem:s26], [sflag:$0x5] =	stream.indirect.gather [hbm4b:s2+s9], $0x1, s25, s9, $0xb8;
	[tilespmem:$0x5980] =	vst v63  }
0x4a: {  	_ = 	snop  }
0x4b: {  	[tilespmem:s30], [sflag:$0x5] =	stream.indirect.gather [hbm4b:s2+s9], $0x1, s29, s9, $0xb8;
	[tilespmem:$0x5980] =	vst v63  }
0x4c: {  	_ = 	snop  }
0x4d: {  	[tilespmem:s3], [sflag:$0x5] =	stream.indirect.gather [hbm4b:s2+s9], $0x1, s31, s9, $0xb8;
	[tilespmem:$0x5980] =	vst v63  }
0x4e: {  	_ = 	snop  }
0x4f: {  	[tilespmem:s10], [sflag:$0x5] =	stream.indirect.gather [hbm4b:s2+s9], $0x1, s0, s9, $0xb8;
	[tilespmem:$0x5980] =	vst v63  }
0x50: {  	_ = 	snop  }
0x51: {  	[tilespmem:s12], [sflag:$0x5] =	stream.indirect.gather [hbm4b:s2+s9], $0x1, s11, s9, $0xb8;
	[tilespmem:$0x5980] =	vst v63  }
0x52: {  	_ =	swait.ge [sflag:s13], $0x80  }
0x53: {  	[sflag:s13] =	ssyncset.done $0x0  }
0x54: {  	[sflag:s13] =	ssyncadd.s32 $0xFFFFFF80  }
0x55: {  	_ =	swait.ge [sflag:s13], $0x80  }
0x56: {  	[sflag:s13] =	ssyncset.done $0x0  }
0x57: {  	[sflag:s13] =	ssyncadd.s32 $0xFFFFFF80  }
0x58: {  	_ =	swait.ge [sflag:s13], $0x80  }
0x59: {  	[sflag:s13] =	ssyncset.done $0x0  }
0x5a: {  	[sflag:s13] =	ssyncadd.s32 $0xFFFFFF80  }
0x5b: {  	_ =	swait.ge [sflag:s13], $0x80  }
0x5c: {  	[sflag:s13] =	ssyncset.done $0x0  }
0x5d: {  	[sflag:s13] =	ssyncadd.s32 $0xFFFFFF80  }
0x5e: {  	_ =	swait.ge [sflag:s13], $0x80  }
0x5f: {  	[sflag:s13] =	ssyncset.done $0x0  }
0x60: {  	[sflag:s13] =	ssyncadd.s32 $0xFFFFFF80  }
0x61: {  	_ =	swait.ge [sflag:s13], $0x80  }
0x62: {  	[sflag:s13] =	ssyncset.done $0x0  }
0x63: {  	[sflag:s13] =	ssyncadd.s32 $0xFFFFFF80  }
0x64: {  	_ =	swait.ge [sflag:s13], $0x80  }
0x65: {  	[sflag:s13] =	ssyncset.done $0x0  }
0x66: {  	[sflag:s13] =	ssyncadd.s32 $0xFFFFFF80  }
0x67: {  	_ =	swait.ge [sflag:s13], $0x80  }
0x68: {  	[sflag:s13] =	ssyncset.done $0x0  }
0x69: {  	[sflag:s13] =	ssyncadd.s32 $0xFFFFFF80  }
0x6a: {  	_ =	swait.ge [sflag:s13], $0x80  }
0x6b: {  	[sflag:s13] =	ssyncset.done $0x0  }
0x6c: {  	[sflag:s13] =	ssyncadd.s32 $0xFFFFFF80  }
0x6d: {  	_ =	swait.ge [sflag:s13], $0x80  }
0x6e: {  	[sflag:s13] =	ssyncset.done $0x0  }
0x6f: {  	[sflag:s13] =	ssyncadd.s32 $0xFFFFFF80  }
0x70: {  	_ =	swait.ge [sflag:s13], $0x80  }
0x71: {  	[sflag:s13] =	ssyncset.done $0x0  }
0x72: {  	[sflag:s13] =	ssyncadd.s32 $0xFFFFFF80  }
0x73: {  	_ =	swait.ge [sflag:s13], $0x80  }
0x74: {  	[sflag:s13] =	ssyncset.done $0x0  }
0x75: {  	[sflag:s13] =	ssyncadd.s32 $0xFFFFFF80  }
0x76: {  	_ =	swait.ge [sflag:s13], $0x80  }
0x77: {  	[sflag:s13] =	ssyncset.done $0x0  }
0x78: {  	s28 =	simm.s32 $0x5340;
	[sflag:s13] =	ssyncadd.s32 $0xFFFFFF80  }
0x79: {  	v4 =	vld [tilespmem:s28+$0x30]  }
0x7a: {  	v5 =	vld [tilespmem:s28+$0x20]  }
0x7b: {  	v8 =	vld [tilespmem:s28+$0x0]  }
0x7c: {  	v7 =	vld [tilespmem:s28+$0x10]  }
0x7d: {  	v9 =	vld [tilespmem:s28+$0xFFFFFFF0]  }
0x7e: {  	v10 =	vld [tilespmem:s28+$0xFFFFFFE0]  }
0x7f: {  	v11 =	vld [tilespmem:s28+$0xFFFFFFD0]  }
0x80: {  	v13 =	vimm.s32 $0x0;
	v12 =	vld [tilespmem:s28+$0xFFFFFFC0];
	vm2 =	vlt.s32 v4, v0;
	vm4 =	vlt.s32 v8, v0  }
0x81: {  	v13 =	vsel vm2, $0xFFFFFFFF, v13;
	vm2 =	vlt.s32 v4, v1;
	v4 =	vimm.s32 $0x0  }
0x82: {  	v6 =	vimm.s32 $0x0;
	vm11 =	vlt.s32 v5, v0;
	[tilespmem:$0x1FFE0] =	vst v13;
	v4 =	vsel vm4, $0xFFFFFFFF, v4  }
0x83: {  	vm3 =	vlt.s32 v5, v1;
	vm12 =	vlt.s32 v7, v0;
	vm13 =	vlt.s32 v9, v0;
	[tilespmem:$0x1FFF0] =	vst v4;
	v4 =	vld [tilespmem:$0x1FFE0]  }
0x84: {  	vm6 =	vlt.s32 v9, v1;
	vm5 =	vlt.s32 v8, v1;
	vm14 =	vlt.s32 v11, v0;
	v8 =	vld [tilespmem:$0x1FFF0]  }
0x85: {  	vm15 =	vlt.s32 v10, v0;
	vm7 =	vlt.s32 v10, v1;
	vm9 =	vlt.s32 v12, v0  }
0x86: {  	vm10 =	vlt.s32 v12, v1;
	vm8 =	vlt.s32 v11, v1;
	v10 =	vimm.s32 $0x0  }
0x87: {  	v5 =	vsel vm11, $0x1, v3;
	v11 =	vsel vm15, $0x1, v3;
	v9 =	vsel vm13, $0x1, v3  }
0x88: {  	v14 =	vsel vm10, $0x1, v3;
	v12 =	vsel vm14, $0x1, v3;
	vm11 =	vnez.u8 v4  }
0x89: {  	vm4 =	vlt.s32 v7, v1;
	v4 =	vsel vm11, $0x1, v3;
	vm11 =	vnez.u8 v8  }
0x8a: {  	s19 =	simm.s32 $0x0;
	s20 =	simm.s32 $0x53C0;
	v7 =	vsel vm12, $0x1, v3;
	v13 =	vsel vm9, $0x1, v3;
	v8 =	vsel vm11, $0x1, v3  }
.LBB2_4:
0x8b: {  	v6 =	vadd.s32 v13, v6  }
0x8c: {  	v10 =	vadd.s32 v14, v10;
	v13 =	vsel vm8, $0x1, v3;
	v14 =	vld [tilespmem:s20+$0x20];
	v6 =	vadd.s32 v12, v6  }
0x8d: {  	v15 =	vld [tilespmem:s20+$0x30];
	v10 =	vadd.s32 v13, v10;
	v12 =	vsel vm7, $0x1, v3;
	v6 =	vadd.s32 v11, v6  }
0x8e: {  	v10 =	vadd.s32 v12, v10;
	v11 =	vsel vm6, $0x1, v3;
	v6 =	vadd.s32 v9, v6  }
0x8f: {  	v16 =	vld [tilespmem:s20+$0xFFFFFFE0];
	v9 =	vadd.s32 v11, v10;
	v10 =	vsel vm5, $0x1, v3;
	v6 =	vadd.s32 v8, v6  }
0x90: {  	v17 =	vld [tilespmem:s20+$0xFFFFFFC0];
	v8 =	vadd.s32 v10, v9;
	v9 =	vsel vm4, $0x1, v3;
	v6 =	vadd.s32 v7, v6  }
0x91: {  	v13 =	vld [tilespmem:s20+$0x10];
	v7 =	vadd.s32 v9, v8;
	v8 =	vsel vm3, $0x1, v3;
	vm10 =	vlt.s32 v14, v0  }
0x92: {  	v12 =	vld [tilespmem:s20+$0x0];
	vm9 =	vlt.s32 v15, v1;
	v5 =	vadd.s32 v5, v6;
	v7 =	vadd.s32 v8, v7  }
0x93: {  	v8 =	vsel vm2, $0x1, v3;
	vm2 =	vlt.s32 v15, v0;
	v6 =	vimm.s32 $0x0  }
0x94: {  	v11 =	vld [tilespmem:s20+$0xFFFFFFF0];
	vm15 =	vlt.s32 v16, v0;
	vm7 =	vlt.s32 v16, v1;
	v6 =	vsel vm2, $0xFFFFFFFF, v6  }
0x95: {  	vm2 =	vlt.s32 v14, v1;
	[tilespmem:$0x1FFC0] =	vst v6;
	v6 =	vadd.s32 v4, v5;
	v4 =	vimm.s32 $0x0  }
0x96: {  	v9 =	vld [tilespmem:s20+$0xFFFFFFD0];
	vm3 =	vlt.s32 v17, v1;
	vm12 =	vlt.s32 v13, v0;
	v4 =	vsel vm2, $0xFFFFFFFF, v4  }
0x97: {  	s19 =	sadd.s32 $0x8, s19;
	vm4 =	vlt.s32 v13, v1;
	v10 =	vadd.s32 v8, v7;
	vm11 =	vlt.s32 v12, v0;
	[tilespmem:$0x1FFD0] =	vst v4;
	v4 =	vld [tilespmem:$0x1FFC0]  }
0x98: {  	p0 =	slt.u32 s19, $0x58;
	vm5 =	vlt.s32 v12, v1;
	v7 =	vsel vm12, $0x1, v3;
	v14 =	vsel vm3, $0x1, v3;
	v12 =	vld [tilespmem:$0x1FFD0]  }
.Ltmp3:
0x99: {  	vm13 =	vlt.s32 v11, v0;
	vm6 =	vlt.s32 v11, v1;
	v5 =	vsel vm10, $0x1, v3;
	(pc) =	sbr.rel @p0 .LBB2_4-.Ltmp3, $4  }
0x9a: {  	v11 =	vsel vm15, $0x1, v3;
	v8 =	vsel vm11, $0x1, v3;
	vm2 =	vlt.s32 v17, v0  }
0x9b: {  	vm14 =	vlt.s32 v9, v0;
	vm8 =	vlt.s32 v9, v1;
	v9 =	vsel vm13, $0x1, v3  }
0x9c: {  	v13 =	vsel vm2, $0x1, v3;
	vm2 =	vmmov vm9;
	vm10 =	vnez.u8 v4  }
0x9d: {  	s20 =	sadd.s32 $0x80, s20;
	v4 =	vsel vm10, $0x1, v3;
	vm3 =	vnez.u8 v12;
	v12 =	vsel vm14, $0x1, v3  }
0x9e: {  	v6 =	vadd.s32 v13, v6;
	v10 =	vadd.s32 v14, v10  }
0x9f: {  	v42 =	vsel vm8, $0x1, v3;
	v43 =	vsel vm7, $0x1, v3;
	v44 =	vsel vm6, $0x1, v3;
	v45 =	vld [tilespmem:$0x5900]  }
0xa0: {  	v47 =	vsel vm5, $0x1, v3;
	v50 =	vld [tilespmem:$0x5910];
	v6 =	vadd.s32 v12, v6;
	v10 =	vadd.s32 v42, v10  }
0xa1: {  	v49 =	vsel vm4, $0x1, v3;
	v6 =	vadd.s32 v11, v6;
	v10 =	vadd.s32 v43, v10  }
0xa2: {  	v52 =	vsel vm3, $0x1, v3;
	v6 =	vadd.s32 v9, v6;
	v46 =	vadd.s32 v44, v10  }
0xa3: {  	v53 =	vld [tilespmem:$0x5920];
	v56 =	vsel vm2, $0x1, v3;
	v6 =	vadd.s32 v8, v6;
	v48 =	vadd.s32 v47, v46  }
0xa4: {  	v55 =	vld [tilespmem:$0x5930];
	v6 =	vadd.s32 v7, v6;
	v51 =	vadd.s32 v49, v48;
	vm2 =	vlt.s32 v45, v0  }
0xa5: {  	vm3 =	vlt.s32 v50, v1;
	v5 =	vadd.s32 v5, v6;
	v54 =	vadd.s32 v52, v51  }
0xa6: {  	v57 =	vsel vm2, $0x1, v3;
	vm2 =	vlt.s32 v45, v1;
	v62 =	vsel vm3, $0x1, v3  }
0xa7: {  	v4 =	vadd.s32 v4, v5;
	v58 =	vsel vm2, $0x1, v3;
	vm2 =	vlt.s32 v50, v0  }
0xa8: {  	v4 =	vadd.s32 v57, v4;
	v59 =	vsel vm2, $0x1, v3;
	vm2 =	vlt.s32 v53, v0  }
0xa9: {  	v4 =	vadd.s32 v59, v4;
	v60 =	vsel vm2, $0x1, v3;
	vm2 =	vlt.s32 v55, v0  }
0xaa: {  	v5 =	vadd.s32 v56, v54;
	v4 =	vadd.s32 v60, v4;
	v61 =	vsel vm2, $0x1, v3  }
0xab: {  	v5 =	vadd.s32 v58, v5;
	vm2 =	vlt.s32 v53, v1;
	v4 =	vadd.s32 v61, v4  }
0xac: {  	v5 =	vadd.s32 v62, v5;
	v63 =	vsel vm2, $0x1, v3;
	vm2 =	vlt.s32 v55, v1;
	(xrf0) =	vadd.scan.msk.s32 $0xffff, v4  }
0xad: {  	v4 =	vadd.s32 v63, v5;
	v5 =	vsel vm2, $0x1, v3  }
0xae: {  	v4 =	vadd.s32 v5, v4  }
0xaf: {  	(xrf0) =	vadd.scan.msk.s32 $0xffff, v4;
	_ =	sdelay $0x2  }
0xb0: {  	v4, _, _ =	vpop (xrf0)  }
0xb1: {  	(v2sf) =	vpush v4, $0xF;
	_ =	sdelay $0x1  }
0xb2: {  	v4, _, _ =	vpop (xrf0)  }
0xb3: {  	(v2sf) =	vpush v4, $0xF;
	_ =	sdelay $0xb  }
0xb4: {  	s19 =	spop (v2sf)  }
0xb5: {  	s19 =	sadd.s32 $0xFFFFFFFF, s19  }
0xb6: {  	p0 =	sgt.s32 s19, $0x0  }
0xb7: {  	s20 =	spop (v2sf);
	s19 =	simm.s32 @!p0 $0x0  }
0xb8: {  	p0 =	sle.s32 s20, s19  }
0xb9: {  	s21 =	smul.u32 @!p0 $0xFA0, s19;
	_ =	sdelay $0x1  }
0xba: {  	[tilespmem:$0x3C20] =	vst v3;
	s21 =	sshrl.u32 @!p0 s21, $0x3  }
0xbb: {  	[tilespmem:$0x4C20] =	vst v3;
	s23 =	simm.s32 @!p0 $0x0;
	s24 =	simm.s32 @!p0 $0xC80;
	s22 =	sadd.s32 @!p0 s1, s21  }
0xbc: {  	[tilespmem:s24], [sflag:$0x1] =	stream.linear.gather @!p0 [hbm4b:s22+s23], $0xFA0, $0x38;
	[tilespmem:$0x5980] =	vst v63  }
0xbd: {  	s21 =	sadd.s32 @!p0 s2, s21;
	s22 =	simm.s32 @!p0 $0x2C80  }
0xbe: {  	[tilespmem:s22], [sflag:$0x3] =	stream.linear.gather @!p0 [hbm4b:s21+s23], $0xFA0, $0x38;
	[tilespmem:$0x5980] =	vst v63  }
0xbf: {  	s23 =	ssub.s32 s20, s19  }
0xc0: {  	s21 =	simm.s32 $0x1;
	s24 =	sadd.s32 $0x1, s23;
	p0 =	slt.u32 s23, $0x7FFFFFFF  }
0xc1: {  	s21 =	simm.s32 @!p0 $0x0;
	s25 =	sshra.s32 s24, $0x1F  }
0xc2: {  	s26 =	sand.u32 $0x1, s24;
	s21 =	sadd.s32 s21, s25  }
0xc3: {  	p1 =	seq.s32 s26, $0x1;
	p6 =	sne.s32 s21, $0x1  }
0xc4: {  	s28 =	sshrl.u32 s24, $0x1F;
	p0 =	por !p6, !p1  }
0xc5: {  	s22 =	simm.s32 $0x1;
	s21 =	sadd.s32 s28, s24;
	p0 =	por !p0, !p0  }
0xc6: {  	s21 =	sshra.s32 s21, $0x1;
	s22 =	simm.s32 @!p0 $0x0  }
0xc7: {  	s21 =	ssub.s32 s21, s22  }
0xc8: {  	p0 =	slt.s32 s21, $0x1  }
.Ltmp4:
0xc9: {  	_ = 	snop;
	(pc) =	sbr.rel @!p0 .LBB2_6-.Ltmp4, $4  }
.Ltmp5:
0xca: {  	_ = 	snop;
	(pc) =	sbr.rel @p0 .LBB2_16-.Ltmp5, $4  }
0xcb: {  	_ = 	snop  }
0xcc: {  	_ = 	snop  }
0xcd: {  	s22 =	simm.s32 $0x0  }
0xce: {  	_ = 	snop  }
.LBB2_15:
0xcf: {  	s22 =	sadd.s32 $0x1, s22  }
0xd0: {  	p0 =	sne.s32 s22, s21  }
.Ltmp6:
0xd1: {  	_ = 	snop;
	(pc) =	sbr.rel @!p0 .LBB2_16-.Ltmp6, $1  }
0xd2: {  	_ =	sdelay $0x3  }
.LBB2_6:
0xd3: {  	s23 =	sshll.u32 s22, $0x1  }
0xd4: {  	s23 =	sadd.s32 s19, s23  }
0xd5: {  	s24 =	sadd.s32 $0x1, s23  }
0xd6: {  	p0 =	sge.s32 s24, s20  }
0xd7: {  	s24 =	smul.u32 @!p0 $0xFA0, s24;
	_ =	sdelay $0x1  }
0xd8: {  	s24 =	sshrl.u32 @!p0 s24, $0x3  }
0xd9: {  	s26 =	simm.s32 @!p0 $0x0;
	s28 =	simm.s32 @!p0 $0x1C80;
	s25 =	sadd.s32 @!p0 s1, s24  }
0xda: {  	[tilespmem:s28], [sflag:$0x2] =	stream.linear.gather @!p0 [hbm4b:s25+s26], $0xFA0, $0x38;
	[tilespmem:$0x5980] =	vst v63  }
0xdb: {  	s24 =	sadd.s32 @!p0 s2, s24;
	s25 =	simm.s32 @!p0 $0x3C80  }
0xdc: {  	[tilespmem:s25], [sflag:$0x4] =	stream.linear.gather @!p0 [hbm4b:s24+s26], $0xFA0, $0x38;
	[tilespmem:$0x5980] =	vst v63  }
0xdd: {  	_ =	swait.ge [sflag:s14], $0xFA0  }
0xde: {  	[sflag:s14] =	ssyncset.done $0x0  }
0xdf: {  	[sflag:s14] =	ssyncadd.s32 $0xFFFFF060  }
0xe0: {  	_ =	swait.ge [sflag:s15], $0xFA0  }
0xe1: {  	[sflag:s15] =	ssyncset.done $0x0  }
0xe2: {  	s25 =	simm.s32 $0xCA0;
	[sflag:s15] =	ssyncadd.s32 $0xFFFFF060  }
0xe3: {  	v4 =	vld [tilespmem:s25+$0x0];
	_ =	sdelay $0x4  }
0xe4: {  	s24 =	simm.s32 $0x2CA0;
	(xrf2) =	vadd.scan.msk.f32 $0xffff, v4  }
0xe5: {  	v5 =	vld [tilespmem:s24+$0x10]  }
0xe6: {  	v7 =	vld [tilespmem:s24+$0x11]  }
0xe7: {  	v14 =	vld [tilespmem:s25+$0x10]  }
0xe8: {  	v8 =	vld [tilespmem:s24+$0xFFFFFFE0]  }
0xe9: {  	v13 =	vld [tilespmem:s24+$0xFFFFFFF1]  }
0xea: {  	v15 =	vld [tilespmem:s24+$0x1]  }
0xeb: {  	v17 =	vld [tilespmem:s24+$0x0]  }
0xec: {  	v12 =	vld [tilespmem:s25+$0xFFFFFFE0];
	v4 =	vsub.s32 v7, v0  }
0xed: {  	v11 =	vld [tilespmem:s24+$0xFFFFFFF0];
	v6 =	vsub.s32 v5, v0;
	vm2 =	vne.s32 v5, v7;
	v7 =	vsub.s32 v8, v0  }
0xee: {  	v9 =	vld [tilespmem:s24+$0xFFFFFFE1];
	vm3 =	vlt.u32 v4, $0xC40;
	vm4 =	vlt.u32 v6, $0xC40;
	vm5 =	vmor vm2, vm0;
	v10, _, _ =	vpop (xrf2);
	(xrf2) =	vadd.scan.msk.f32 $0xffff, v14  }
0xef: {  	v16 =	vld [tilespmem:s25+$0xFFFFFFF0];
	v5 =	vsub.s32 v13, v0;
	vm2 =	vmand vm2, vm3;
	vm3 =	vmand vm4, vm5  }
0xf0: {  	s28 =	simm.s32 $0xCE0;
	s26 =	simm.s32 $0x0;
	vm5 =	vlt.u32 v5, $0xC40;
	vm4 =	vne.s32 v17, v15;
	v14 =	vsub.s32 v17, v0  }
.LBB2_7:
0xf1: {  	v17 =	vld [tilespmem:s28+$0x0];
	s26 =	sadd.s32 $0x4, s26;
	v18 =	vsub.s32 v15, v0;
	vm6 =	vlt.u32 v14, $0xC40;
	vm7 =	vmor vm4, vm0;
	s24 =	sadd.s32 $0x40, s24;
	(xrf2) =	vadd.scan.msk.f32 $0xffff, v12  }
0xf2: {  	vm8 =	vlt.u32 v7, $0xC40;
	vm9 =	vne.s32 v11, v13;
	v20 =	vsub.s32 v11, v0;
	v19 =	vld [tilespmem:s24+$0x10];
	p1 =	slt.u32 s26, $0xF4  }
0xf3: {  	vm10 =	vne.s32 v8, v9;
	v22 =	vsub.f32 $0.0e+00, v10;
	vm11 =	vlt.u32 v20, $0xC40;
	v21 =	vld [tilespmem:s24+$0x11]  }
0xf4: {  	v24 =	vsub.s32 v9, v0;
	vm12 =	vmor vm10, vm0;
	vm13 =	vlt.u32 v18, $0xC40;
	v23 =	vld [tilespmem:s28+$0x10];
	(xrf2) =	vadd.scan.msk.f32 $0xffff, v16  }
0xf5: {  	vm14 =	vlt.u32 v24, $0xC40;
	vm7 =	vmand vm6, vm7;
	vm8 =	vmand vm8, vm12;
	v12 =	vld [tilespmem:s28+$0xFFFFFFE0]  }
0xf6: {  	vm6 =	vmand vm10, vm14;
	vm10 =	vmor vm9, vm0;
	vm9 =	vmand vm9, vm5;
	v11 =	vld [tilespmem:s24+$0xFFFFFFF0]  }
0xf7: {  	vm6 =	vmand vm6, vm1;
	vm5 =	vmand vm11, vm10;
	vm10 =	vmand vm4, vm13;
	v8 =	vld [tilespmem:s24+$0xFFFFFFE0]  }
0xf8: {  	s25 =	simm.s32 $0x0;
	v9 =	vld [tilespmem:s24+$0xFFFFFFE1];
	(xrf2) =	vadd.scan.msk.f32 $0xffff, v17;
	v13, _, _ =	vpop (xrf2)  }
0xf9: {  	vm4 =	vmand vm9, vm1;
	[tilespmem:v6+s25+$0x0] =	vst.idx.add.f32.msk vm3, v13;
	v17 =	vsub.f32 $0.0e+00, v13  }
0xfa: {  	v13 =	vld [tilespmem:s24+$0xFFFFFFF1]  }
0xfb: {  	vm9 =	vmand vm10, vm1;
	[tilespmem:v14+s25+$0x0] =	vst.idx.add.f32.msk vm7, v10;
	v10, _, _ =	vpop (xrf2)  }
0xfc: {  	v6 =	vsub.s32 v19, v0;
	v15 =	vld [tilespmem:s24+$0x1]  }
0xfd: {  	vm3 =	vlt.u32 v6, $0xC40;
	vm7 =	vmand vm2, vm1;
	[tilespmem:v7+s25+$0x0] =	vst.idx.add.f32.msk vm8, v10  }
0xfe: {  	v14 =	vsub.s32 v21, v0;
	v25 =	vsub.f32 $0.0e+00, v10;
	v16 =	vld [tilespmem:s28+$0xFFFFFFF0];
	v7, _, _ =	vpop (xrf2)  }
0xff: {  	vm2 =	vne.s32 v19, v21;
	vm8 =	vlt.u32 v14, $0xC40;
	v26 =	vld [tilespmem:s24+$0x0];
	v19 =	vsub.f32 $0.0e+00, v7  }
.Ltmp7:
0x100: {  	vm10 =	vmor vm2, vm0;
	vm2 =	vmand vm2, vm8;
	[tilespmem:v20+s25+$0x0] =	vst.idx.add.f32.msk vm5, v7;
	(pc) =	sbr.rel @p1 .LBB2_7-.Ltmp7, $4  }
0x101: {  	vm3 =	vmand vm3, vm10;
	[tilespmem:v18+s25+$0x0] =	vst.idx.add.f32.msk vm9, v22  }
0x102: {  	v10, _, _ =	vpop (xrf2);
	(xrf2) =	vadd.scan.msk.f32 $0xffff, v23;
	[tilespmem:v5+s25+$0x0] =	vst.idx.add.f32.msk vm4, v19  }
0x103: {  	v7 =	vsub.s32 v8, v0;
	v5 =	vsub.s32 v13, v0;
	[tilespmem:v4+s25+$0x0] =	vst.idx.add.f32.msk vm7, v17;
	v4 =	vmov v14  }
0x104: {  	s28 =	sadd.s32 $0x40, s28;
	vm5 =	vlt.u32 v5, $0xC40;
	vm4 =	vne.s32 v26, v15;
	v14 =	vsub.s32 v26, v0;
	[tilespmem:v24+s25+$0x0] =	vst.idx.add.f32.msk vm6, v25  }
0x105: {  	(xrf2) =	vadd.scan.msk.f32 $0xffff, v12  }
0x106: {  	v55 =	vsub.s32 v15, v0;
	vm6 =	vlt.u32 v14, $0xC40;
	vm7 =	vmor vm4, vm0;
	(xrf2) =	vadd.scan.msk.f32 $0xffff, v16  }
0x107: {  	vm6 =	vmand vm6, vm7;
	vm7 =	vlt.u32 v55, $0xC40  }
0x108: {  	vm8 =	vlt.u32 v7, $0xC40;
	vm9 =	vne.s32 v11, v13;
	vm14 =	vmand vm4, vm7  }
0x109: {  	v56 =	vsub.s32 v11, v0;
	vm10 =	vne.s32 v8, v9;
	vm4 =	vmand vm14, vm1  }
0x10a: {  	v57 =	vsub.s32 v9, v0;
	vm2 =	vmand vm2, vm1;
	vm12 =	vmor vm10, vm0  }
0x10b: {  	vm11 =	vlt.u32 v56, $0xC40;
	vm8 =	vmand vm8, vm12;
	vm12 =	vmor vm9, vm0  }
0x10c: {  	vm5 =	vmand vm9, vm5;
	vm15 =	vlt.u32 v57, $0xC40;
	vm11 =	vmand vm11, vm12  }
0x10d: {  	v60 =	vsub.f32 $0.0e+00, v10;
	vm5 =	vmand vm5, vm1;
	vm7 =	vmand vm10, vm15;
	v58, _, _ =	vpop (xrf2);
	[tilespmem:v14+s25+$0x0] =	vst.idx.add.f32.msk vm6, v10  }
0x10e: {  	[tilespmem:v6+s25+$0x0] =	vst.idx.add.f32.msk vm3, v58;
	vm3 =	vmand vm7, vm1;
	v63 =	vsub.f32 $0.0e+00, v58  }
0x10f: {  	[tilespmem:v55+s25+$0x0] =	vst.idx.add.f32.msk vm4, v60;
	v59, _, _ =	vpop (xrf2)  }
0x110: {  	[tilespmem:v4+s25+$0x0] =	vst.idx.add.f32.msk vm2, v63;
	v61, _, _ =	vpop (xrf2)  }
0x111: {  	[tilespmem:v7+s25+$0x0] =	vst.idx.add.f32.msk vm8, v59;
	v62 =	vsub.f32 $0.0e+00, v61  }
0x112: {  	v6 =	vsub.f32 $0.0e+00, v59;
	[tilespmem:v56+s25+$0x0] =	vst.idx.add.f32.msk vm11, v61  }
0x113: {  	[tilespmem:v5+s25+$0x0] =	vst.idx.add.f32.msk vm5, v62  }
0x114: {  	[tilespmem:v57+s25+$0x0] =	vst.idx.add.f32.msk vm3, v6  }
.LBB2_9:
0x115: {  	s24 =	sshra.s32 s25, $0x2  }
0x116: {  	v4 =	vld [tilespmem:s24+$0x1C00];
	_ =	sdelay $0x2  }
0x117: {  	v5 =	vld [tilespmem:s24+$0x3C00]  }
0x118: {  	v6 =	vld [tilespmem:s24+$0x3C01]  }
0x119: {  	(xrf2) =	vadd.scan.msk.f32 $0xffff, v4;
	_ =	sdelay $0x3  }
0x11a: {  	vm2 =	vne.s32 v5, v6;
	v4 =	vsub.s32 v5, v0;
	v5 =	vsub.s32 v6, v0  }
0x11b: {  	vm3 =	vlt.u32 v4, $0xC40;
	vm4 =	vlt.u32 v5, $0xC40;
	vm5 =	vmor vm2, vm0  }
0x11c: {  	vm3 =	vmand vm3, vm5;
	vm2 =	vmand vm2, vm4  }
0x11d: {  	vm2 =	vmand vm2, vm1  }
0x11e: {  	p1 =	sne.s32 s25, $0x40  }
.Ltmp8:
0x11f: {  	_ = 	snop;
	(pc) =	sbr.rel @p1 .LBB2_9-.Ltmp8, $4  }
0x120: {  	v63, _, _ =	vpop (xrf2)  }
0x121: {  	v7 =	vsub.f32 $0.0e+00, v63  }
0x122: {  	[tilespmem:v4+s4+$0x0] =	vst.idx.add.f32.msk vm3, v63  }
0x123: {  	s25 =	sadd.s32 $0x40, s25;
	[tilespmem:v5+s4+$0x0] =	vst.idx.add.f32.msk vm2, v7  }
0x124: {  	s23 =	sadd.s32 $0x2, s23  }
0x125: {  	p1 =	sge.s32 s23, s20  }
0x126: {  	s23 =	smul.u32 @!p1 $0xFA0, s23;
	_ =	sdelay $0x1  }
.Ltmp9:
0x127: {  	s23 =	sshrl.u32 @!p1 s23, $0x3;
	(pc) =	sbr.rel @p0 .LBB2_15-.Ltmp9, $4  }
0x128: {  	s25 =	simm.s32 @!p1 $0x0;
	s26 =	simm.s32 @!p1 $0xC80;
	s24 =	sadd.s32 @!p1 s1, s23  }
0x129: {  	[tilespmem:s26], [sflag:$0x1] =	stream.linear.gather @!p1 [hbm4b:s24+s25], $0xFA0, $0x38;
	[tilespmem:$0x5980] =	vst v63  }
0x12a: {  	s23 =	sadd.s32 @!p1 s2, s23;
	s24 =	simm.s32 @!p1 $0x2C80  }
0x12b: {  	[tilespmem:s24], [sflag:$0x3] =	stream.linear.gather @!p1 [hbm4b:s23+s25], $0xFA0, $0x38;
	[tilespmem:$0x5980] =	vst v63  }
0x12c: {  	_ =	swait.ge [sflag:s16], $0xFA0  }
0x12d: {  	[sflag:s16] =	ssyncset.done $0x0  }
0x12e: {  	[sflag:s16] =	ssyncadd.s32 $0xFFFFF060  }
0x12f: {  	_ =	swait.ge [sflag:s17], $0xFA0  }
0x130: {  	[sflag:s17] =	ssyncset.done $0x0  }
0x131: {  	s24 =	simm.s32 $0x1CA0;
	[sflag:s17] =	ssyncadd.s32 $0xFFFFF060  }
0x132: {  	v4 =	vld [tilespmem:s24+$0x0];
	_ =	sdelay $0x4  }
0x133: {  	s23 =	simm.s32 $0x3CA0;
	(xrf2) =	vadd.scan.msk.f32 $0xffff, v4  }
0x134: {  	v5 =	vld [tilespmem:s23+$0x10]  }
0x135: {  	v7 =	vld [tilespmem:s23+$0x11]  }
0x136: {  	v14 =	vld [tilespmem:s24+$0x10]  }
0x137: {  	v8 =	vld [tilespmem:s23+$0xFFFFFFE0]  }
0x138: {  	v13 =	vld [tilespmem:s23+$0xFFFFFFF1]  }
0x139: {  	v15 =	vld [tilespmem:s23+$0x1]  }
0x13a: {  	v17 =	vld [tilespmem:s23+$0x0]  }
0x13b: {  	v12 =	vld [tilespmem:s24+$0xFFFFFFE0];
	v4 =	vsub.s32 v7, v0  }
0x13c: {  	v11 =	vld [tilespmem:s23+$0xFFFFFFF0];
	v6 =	vsub.s32 v5, v0;
	vm2 =	vne.s32 v5, v7;
	v7 =	vsub.s32 v8, v0  }
0x13d: {  	v9 =	vld [tilespmem:s23+$0xFFFFFFE1];
	vm3 =	vlt.u32 v4, $0xC40;
	vm4 =	vlt.u32 v6, $0xC40;
	vm5 =	vmor vm2, vm0;
	v10, _, _ =	vpop (xrf2);
	(xrf2) =	vadd.scan.msk.f32 $0xffff, v14  }
0x13e: {  	v16 =	vld [tilespmem:s24+$0xFFFFFFF0];
	v5 =	vsub.s32 v13, v0;
	vm2 =	vmand vm2, vm3;
	vm3 =	vmand vm4, vm5  }
0x13f: {  	s25 =	simm.s32 $0x0;
	s26 =	simm.s32 $0x1CE0;
	vm5 =	vlt.u32 v5, $0xC40;
	vm4 =	vne.s32 v17, v15;
	v14 =	vsub.s32 v17, v0  }
.LBB2_12:
0x140: {  	v17 =	vld [tilespmem:s26+$0x0];
	s25 =	sadd.s32 $0x4, s25;
	v18 =	vsub.s32 v15, v0;
	vm6 =	vlt.u32 v14, $0xC40;
	vm7 =	vmor vm4, vm0;
	s23 =	sadd.s32 $0x40, s23;
	(xrf2) =	vadd.scan.msk.f32 $0xffff, v12  }
0x141: {  	vm8 =	vlt.u32 v7, $0xC40;
	vm9 =	vne.s32 v11, v13;
	v20 =	vsub.s32 v11, v0;
	v19 =	vld [tilespmem:s23+$0x10];
	p0 =	slt.u32 s25, $0xF4  }
0x142: {  	vm10 =	vne.s32 v8, v9;
	v22 =	vsub.f32 $0.0e+00, v10;
	vm11 =	vlt.u32 v20, $0xC40;
	v21 =	vld [tilespmem:s23+$0x11]  }
0x143: {  	v24 =	vsub.s32 v9, v0;
	vm12 =	vmor vm10, vm0;
	vm13 =	vlt.u32 v18, $0xC40;
	v23 =	vld [tilespmem:s26+$0x10];
	(xrf2) =	vadd.scan.msk.f32 $0xffff, v16  }
0x144: {  	vm14 =	vlt.u32 v24, $0xC40;
	vm7 =	vmand vm6, vm7;
	vm8 =	vmand vm8, vm12;
	v12 =	vld [tilespmem:s26+$0xFFFFFFE0]  }
0x145: {  	vm6 =	vmand vm10, vm14;
	vm10 =	vmor vm9, vm0;
	vm9 =	vmand vm9, vm5;
	v11 =	vld [tilespmem:s23+$0xFFFFFFF0]  }
0x146: {  	vm6 =	vmand vm6, vm1;
	vm5 =	vmand vm11, vm10;
	vm10 =	vmand vm4, vm13;
	v8 =	vld [tilespmem:s23+$0xFFFFFFE0]  }
0x147: {  	s24 =	simm.s32 $0x0;
	v9 =	vld [tilespmem:s23+$0xFFFFFFE1];
	(xrf2) =	vadd.scan.msk.f32 $0xffff, v17;
	v13, _, _ =	vpop (xrf2)  }
0x148: {  	vm4 =	vmand vm9, vm1;
	[tilespmem:v6+s24+$0x0] =	vst.idx.add.f32.msk vm3, v13;
	v17 =	vsub.f32 $0.0e+00, v13  }
0x149: {  	v13 =	vld [tilespmem:s23+$0xFFFFFFF1]  }
0x14a: {  	vm9 =	vmand vm10, vm1;
	[tilespmem:v14+s24+$0x0] =	vst.idx.add.f32.msk vm7, v10;
	v10, _, _ =	vpop (xrf2)  }
0x14b: {  	v6 =	vsub.s32 v19, v0;
	v15 =	vld [tilespmem:s23+$0x1]  }
0x14c: {  	vm3 =	vlt.u32 v6, $0xC40;
	vm7 =	vmand vm2, vm1;
	[tilespmem:v7+s24+$0x0] =	vst.idx.add.f32.msk vm8, v10  }
0x14d: {  	v14 =	vsub.s32 v21, v0;
	v25 =	vsub.f32 $0.0e+00, v10;
	v16 =	vld [tilespmem:s26+$0xFFFFFFF0];
	v7, _, _ =	vpop (xrf2)  }
0x14e: {  	vm2 =	vne.s32 v19, v21;
	vm8 =	vlt.u32 v14, $0xC40;
	v26 =	vld [tilespmem:s23+$0x0];
	v19 =	vsub.f32 $0.0e+00, v7  }
.Ltmp10:
0x14f: {  	vm10 =	vmor vm2, vm0;
	vm2 =	vmand vm2, vm8;
	[tilespmem:v20+s24+$0x0] =	vst.idx.add.f32.msk vm5, v7;
	(pc) =	sbr.rel @p0 .LBB2_12-.Ltmp10, $4  }
0x150: {  	vm3 =	vmand vm3, vm10;
	[tilespmem:v18+s24+$0x0] =	vst.idx.add.f32.msk vm9, v22  }
0x151: {  	v10, _, _ =	vpop (xrf2);
	(xrf2) =	vadd.scan.msk.f32 $0xffff, v23;
	[tilespmem:v5+s24+$0x0] =	vst.idx.add.f32.msk vm4, v19  }
0x152: {  	v7 =	vsub.s32 v8, v0;
	v5 =	vsub.s32 v13, v0;
	[tilespmem:v4+s24+$0x0] =	vst.idx.add.f32.msk vm7, v17;
	v4 =	vmov v14  }
0x153: {  	s26 =	sadd.s32 $0x40, s26;
	vm5 =	vlt.u32 v5, $0xC40;
	vm4 =	vne.s32 v26, v15;
	v14 =	vsub.s32 v26, v0;
	[tilespmem:v24+s24+$0x0] =	vst.idx.add.f32.msk vm6, v25  }
0x154: {  	(xrf2) =	vadd.scan.msk.f32 $0xffff, v12  }
0x155: {  	v55 =	vsub.s32 v15, v0;
	vm6 =	vlt.u32 v14, $0xC40;
	vm7 =	vmor vm4, vm0;
	(xrf2) =	vadd.scan.msk.f32 $0xffff, v16  }
0x156: {  	vm6 =	vmand vm6, vm7;
	vm7 =	vlt.u32 v55, $0xC40  }
0x157: {  	vm8 =	vlt.u32 v7, $0xC40;
	vm9 =	vne.s32 v11, v13;
	vm14 =	vmand vm4, vm7  }
0x158: {  	v56 =	vsub.s32 v11, v0;
	vm10 =	vne.s32 v8, v9;
	vm4 =	vmand vm14, vm1  }
0x159: {  	v57 =	vsub.s32 v9, v0;
	vm2 =	vmand vm2, vm1;
	vm12 =	vmor vm10, vm0  }
0x15a: {  	vm11 =	vlt.u32 v56, $0xC40;
	vm8 =	vmand vm8, vm12;
	vm12 =	vmor vm9, vm0  }
0x15b: {  	vm5 =	vmand vm9, vm5;
	vm15 =	vlt.u32 v57, $0xC40;
	vm11 =	vmand vm11, vm12  }
0x15c: {  	v60 =	vsub.f32 $0.0e+00, v10;
	vm5 =	vmand vm5, vm1;
	vm7 =	vmand vm10, vm15;
	v58, _, _ =	vpop (xrf2);
	[tilespmem:v14+s24+$0x0] =	vst.idx.add.f32.msk vm6, v10  }
0x15d: {  	[tilespmem:v6+s24+$0x0] =	vst.idx.add.f32.msk vm3, v58;
	vm3 =	vmand vm7, vm1;
	v63 =	vsub.f32 $0.0e+00, v58  }
0x15e: {  	[tilespmem:v55+s24+$0x0] =	vst.idx.add.f32.msk vm4, v60;
	v59, _, _ =	vpop (xrf2)  }
0x15f: {  	[tilespmem:v4+s24+$0x0] =	vst.idx.add.f32.msk vm2, v63;
	v61, _, _ =	vpop (xrf2)  }
0x160: {  	[tilespmem:v7+s24+$0x0] =	vst.idx.add.f32.msk vm8, v59;
	v62 =	vsub.f32 $0.0e+00, v61  }
0x161: {  	v6 =	vsub.f32 $0.0e+00, v59;
	[tilespmem:v56+s24+$0x0] =	vst.idx.add.f32.msk vm11, v61  }
0x162: {  	[tilespmem:v5+s24+$0x0] =	vst.idx.add.f32.msk vm5, v62  }
0x163: {  	[tilespmem:v57+s24+$0x0] =	vst.idx.add.f32.msk vm3, v6  }
.LBB2_14:
0x164: {  	s23 =	sshra.s32 s24, $0x2  }
0x165: {  	v4 =	vld [tilespmem:s23+$0x2C00];
	_ =	sdelay $0x2  }
0x166: {  	v5 =	vld [tilespmem:s23+$0x4C00]  }
0x167: {  	v6 =	vld [tilespmem:s23+$0x4C01]  }
0x168: {  	(xrf2) =	vadd.scan.msk.f32 $0xffff, v4;
	_ =	sdelay $0x3  }
0x169: {  	vm2 =	vne.s32 v5, v6;
	v4 =	vsub.s32 v5, v0;
	v5 =	vsub.s32 v6, v0  }
0x16a: {  	vm3 =	vlt.u32 v4, $0xC40;
	vm4 =	vlt.u32 v5, $0xC40;
	vm5 =	vmor vm2, vm0  }
0x16b: {  	vm3 =	vmand vm3, vm5;
	vm2 =	vmand vm2, vm4  }
0x16c: {  	vm2 =	vmand vm2, vm1  }
0x16d: {  	p0 =	sne.s32 s24, $0x40  }
.Ltmp11:
0x16e: {  	_ = 	snop;
	(pc) =	sbr.rel @p0 .LBB2_14-.Ltmp11, $4  }
0x16f: {  	v63, _, _ =	vpop (xrf2)  }
0x170: {  	v7 =	vsub.f32 $0.0e+00, v63  }
0x171: {  	[tilespmem:v4+s4+$0x0] =	vst.idx.add.f32.msk vm3, v63  }
0x172: {  	s24 =	sadd.s32 $0x40, s24;
	[tilespmem:v5+s4+$0x0] =	vst.idx.add.f32.msk vm2, v7  }
.Ltmp12:
0x173: {  	_ = 	snop;
	(pc) =	sbr.rel .LBB2_15-.Ltmp12, $1  }
0x174: {  	_ =	sdelay $0x3  }
.LBB2_17:
0x175: {  	_ =	sfence.sel $0x180000  }
0x176: {  	[bflag:$0x0] =	sbarrier.arrive $0xFFFF  }
0x177: {  	_ =	strace $0x90000047  }
0x178: {  	s0 =	stileid.u32;
	[bflag:$0x2] =	sbarrier.arrive $0xFFFF  }
0x179: {  	p0 =	sne.s32 s0, $0x0;
	s0 =	rddreg [dreg:$0x4]  }
0x17a: {  	s0 =	sadd.s32 @!p0 $0x100000, s0  }
0x17b: {  	[sflag:s0] =	ssyncadd.tile.s32 @!p0 $0x1;
	_ =	shalt  }
.Lfunc_end2:
_tile_overlayer_lowered:
.L_overlay_start_2:
0x17c: {  	(tag) =	ssettag $0x2  }
0x17d: {  	s0 =	rddreg [dreg:$0x0];
	s2 =	stileid.u32  }
0x17e: {  	s1 =	rddreg [dreg:$0x1];
	p0 =	sne.s32 s2, $0x0  }
0x17f: {  	s3 =	rddreg [dreg:$0x2];
	[bflag:$0x3] =	sbarrier.arrive $0xFFFF;
	s2 =	simm.s32 @!p0 $0x1C06  }
0x180: {  	[timem:s3], [sflag:s2] =	dma.local @!p0 [hbm:s0], s1  }
0x181: {  	s0 =	simm.s32 @!p0 $0x6  }
0x182: {  	_ =	swait.ge @!p0 [sflag:s0], s1  }
0x183: {  	s1 =	ssub.s32 @!p0 $0x0, s1;
	[sflag:s0] =	ssyncset.done @!p0 $0x0  }
0x184: {  	[sflag:s0] =	ssyncadd.s32 @!p0 s1  }
0x185: {  	[bflag:$0x3] =	sbarrier.arrive $0xFFFF  }
0x186: {  	_ =	shalt  }

</sc_bundles>
